<compile_context>
chip_gen: v7x
topology: tpu7x:2x2x1
jax: 0.10.2.dev20260603
libtpu: 0.0.44.dev20260713+nightly
codegen_flags: <defaults>
</compile_context>

<pallas_src>
import functools

import jax
import jax.numpy as jnp
import numpy as np
from jax import lax
from jax.experimental import pallas as pl
from jax.experimental.pallas import tpu as pltpu
from jax.experimental.pallas import tpu_sc as plsc

NSUB = 16
NCORE = 2
LANES = 16
CHUNK = 128
RCHUNK = 128


def _unpack_perm(dh):
    m = np.empty(dh, np.int64)
    for t in range(dh):
        h, r = divmod(t, 2 * LANES)
        m[t] = 2 * LANES * h + (2 * r if r < LANES else 2 * (r - LANES) + 1)
    q = np.empty(dh, np.int64)
    q[m] = np.arange(dh)
    return q


def _make_sc_scatter(n_acc, dh, nch):
    rows_per_sub = n_acc // NSUB
    dw = dh // 2
    mesh = plsc.VectorSubcoreMesh(core_axis_name="c", subcore_axis_name="s")

    @functools.partial(
        pl.kernel,
        mesh=mesh,
        compiler_params=pltpu.CompilerParams(use_tc_tiling_on_sc=False),
        out_type=jax.ShapeDtypeStruct((NCORE, n_acc, dh), jnp.float32),
        scratch_types=[
            pltpu.VMEM((nch, CHUNK), jnp.int32),
            pltpu.VMEM((nch, CHUNK), jnp.int32),
            pltpu.VMEM((CHUNK * LANES,), jnp.float32),
            pltpu.VMEM((CHUNK * LANES,), jnp.float32),
            pltpu.VMEM((CHUNK, dw), jnp.int32),
            pltpu.VMEM((CHUNK, dw), jnp.int32),
            pltpu.VMEM((CHUNK, dh), jnp.float32),
            pltpu.VMEM_SHARED((n_acc, dh), jnp.float32),
            pltpu.SemaphoreType.DMA,
            pltpu.SemaphoreType.DMA,
        ],
    )
    def sc_scatter(f2_hbm, src_hbm, dst_hbm, w_hbm, out_hbm,
                   src_v, dst_v, w0, w1, g0b, g1b, sbuf, acc, g0, g1):
        c = lax.axis_index("c")
        s = lax.axis_index("s")
        gbufs = (g0b, g1b)
        wbufs = (w0, w1)
        gsems = (g0, g1)

        pltpu.sync_copy(src_hbm.at[c, s], src_v)
        pltpu.sync_copy(dst_hbm.at[s], dst_v)

        @plsc.parallel_loop(0, RCHUNK, 1, unroll=8)
        def _zrow(r):
            for j in range(dh // LANES):
                sbuf[r, pl.ds(LANES * j, LANES)] = jnp.zeros((LANES,), jnp.float32)

        for t in range(rows_per_sub // RCHUNK):
            r0 = s * rows_per_sub + t * RCHUNK
            pltpu.sync_copy(sbuf.at[pl.ds(0, RCHUNK)], acc.at[pl.ds(r0, RCHUNK)])
        plsc.subcore_barrier()

        def _start_gather(p, k):
            pltpu.async_copy(f2_hbm.at[src_v.at[p]], gbufs[k], gsems[k])
            pltpu.async_copy(w_hbm.at[s * nch + p], wbufs[k], gsems[k])

        def _expand_scale(gbuf, wbuf):
            @plsc.parallel_loop(0, CHUNK, 1, unroll=8)
            def _edge(e):
                wvec = wbuf[pl.ds(LANES * e, LANES)]
                for h in range(dw // LANES):
                    xi = gbuf[e, pl.ds(LANES * h, LANES)]
                    lo = lax.shift_right_arithmetic(lax.shift_left(xi, 16), 16)
                    hi = lax.shift_right_arithmetic(xi, 16)
                    a = lo.astype(jnp.float32)
                    b = hi.astype(jnp.float32)
                    sbuf[e, pl.ds(2 * LANES * h, LANES)] = a * wvec
                    sbuf[e, pl.ds(2 * LANES * h + LANES, LANES)] = b * wvec

        def _drain(sem, k):
            pltpu.make_async_copy(f2_hbm.at[pl.ds(0, CHUNK)], gbufs[k], sem).wait()
            pltpu.make_async_copy(w_hbm.at[0], wbufs[k], sem).wait()

        _start_gather(0, 0)
        _start_gather(1, 1)

        def _pair(i, carry):
            for k in range(2):
                p = 2 * i + k
                _drain(gsems[k], k)
                _expand_scale(gbufs[k], wbufs[k])
                pltpu.sync_copy(sbuf, acc.at[dst_v.at[p]], add=True)

                @pl.when(p + 2 < nch)
                def _():
                    _start_gather(p + 2, k)
            return carry

        lax.fori_loop(0, nch // 2, _pair, 0)

        plsc.subcore_barrier()
        for t in range(rows_per_sub // RCHUNK):
            r0 = s * rows_per_sub + t * RCHUNK
            pltpu.sync_copy(acc.at[pl.ds(r0, RCHUNK)], sbuf.at[pl.ds(0, RCHUNK)])
            pltpu.sync_copy(sbuf.at[pl.ds(0, RCHUNK)], out_hbm.at[c, pl.ds(r0, RCHUNK)])

    return sc_scatter


def _tc_linear(partial, W, b8, n_nodes):
    dh = partial.shape[2]
    d = 2 * dh
    blk = 1000 if n_nodes % 1000 == 0 else n_nodes

    def _body(p_ref, w_ref, b_ref, o_ref):
        y = lax.dot_general(p_ref[0], w_ref[:, 0:dh], (((1,), (1,)), ((), ())),
                            preferred_element_type=jnp.float32)
        y += lax.dot_general(p_ref[1], w_ref[:, dh:d], (((1,), (1,)), ((), ())),
                             preferred_element_type=jnp.float32)
        o_ref[...] = jnp.maximum(y + b_ref[0:1, :], 0.0)

    return pl.pallas_call(
        _body,
        grid=(n_nodes // blk,),
        in_specs=[
            pl.BlockSpec((2, blk, dh), lambda i: (0, i, 0)),
            pl.BlockSpec((d, d), lambda i: (0, 0)),
            pl.BlockSpec((8, d), lambda i: (0, 0)),
        ],
        out_specs=pl.BlockSpec((blk, d), lambda i: (i, 0)),
        out_shape=jax.ShapeDtypeStruct((n_nodes, d), jnp.float32),
    )(partial, W, b8)


def kernel(feature, edge_index, edge_weight, W, b):
    n_nodes, d = feature.shape
    dh = d // 2
    e = edge_index.shape[1]
    per_s = NSUB * CHUNK
    e_pad = ((e + per_s - 1) // per_s) * per_s
    nch = e_pad // per_s
    if nch % 2:
        nch += 1
        e_pad = nch * per_s

    src = edge_index[0].astype(jnp.int32)
    dst = edge_index[1].astype(jnp.int32)
    w = edge_weight.astype(jnp.float32)
    pad = e_pad - e
    src = jnp.concatenate([src, jnp.zeros((pad,), jnp.int32)])
    dst = jnp.concatenate([dst, jnp.zeros((pad,), jnp.int32)]).reshape(NSUB, nch, CHUNK)
    w = jnp.concatenate([w, jnp.zeros((pad,), jnp.float32)])
    w16 = jnp.broadcast_to(w[:, None], (e_pad, LANES)).reshape(NSUB * nch, CHUNK * LANES)

    n_acc = ((n_nodes + NSUB * RCHUNK - 1) // (NSUB * RCHUNK)) * (NSUB * RCHUNK)
    fmax = jnp.max(jnp.abs(feature))
    fscale = jnp.where(fmax > 0, fmax / 32000.0, 1.0)
    w16 = w16 * fscale
    fq = jnp.rint(feature / fscale).astype(jnp.int16)
    q = _unpack_perm(dh)
    rpad = jnp.zeros((n_acc - n_nodes, dh), jnp.int16)
    f2q = jnp.concatenate([
        jnp.concatenate([fq[:, :dh][:, q], rpad]),
        jnp.concatenate([fq[:, dh:][:, q], rpad]),
    ])
    f2 = jax.lax.bitcast_convert_type(
        f2q.reshape(2 * n_acc, dh // 2, 2), jnp.int32)
    src2 = jnp.stack([src, src + n_acc]).reshape(NCORE, NSUB, nch, CHUNK)

    partial = _make_sc_scatter(n_acc, dh, nch)(f2, src2, dst, w16)
    b8 = jnp.broadcast_to(b[None, :], (8, d))
    return _tc_linear(partial, W, b8, n_nodes)

# --- scband reference (transcript-rebuilt; emitter-appended) ---
"""Pipeline reference for scband-weighted-gcn-2113123909818 (READ-ONLY COPY).

The authoritative reference and input builder live on the scoring server;
editing this copy changes nothing except your own understanding.
"""

import jax, jax.numpy as jnp
import numpy as np

N_NODES = 10000
N_EDGES = 320000
D_IN = 128
D_OUT = 128

def setup_inputs(seed: int = 0) -> dict:
    key = jax.random.key(seed)
    k1, k2, k3, k4, k5 = jax.random.split(key, 5)
    feature = jax.random.normal(k1, (N_NODES, D_IN), dtype=jnp.float32)
    edge_index = jax.random.randint(k2, (2, N_EDGES), 0, N_NODES, dtype=jnp.int64)
    edge_weight = jax.random.uniform(k3, (N_EDGES,), dtype=jnp.float32)
    # nn.Linear(in_feats, out_feats): weight [out, in], bias [out]
    bound = 1.0 / np.sqrt(D_IN)
    W = jax.random.uniform(k4, (D_OUT, D_IN), minval=-bound, maxval=bound, dtype=jnp.float32)
    b = jax.random.uniform(k5, (D_OUT,), minval=-bound, maxval=bound, dtype=jnp.float32)
    return {"feature": feature, "edge_index": edge_index, "edge_weight": edge_weight, "W": W, "b": b}

def reference(feature, edge_index, edge_weight, W, b):
    # DGL update_all(fn.src_mul_edge('h','e','m'), fn.sum('m','h'), apply_mod)
    src = edge_index[0]
    dst = edge_index[1]
    # message: m_e = h_src * e  (edge weight broadcast over feature dim)
    m = jnp.take(feature, src, axis=0) * edge_weight[:, None]
    # reduce: sum messages into destination nodes
    agg = jax.ops.segment_sum(m, dst, num_segments=N_NODES)
    # apply: ReLU(W h + b)
    h = agg @ W.T + b
    return jax.nn.relu(h)

if __name__ == "__main__":
    import jax
    _d = setup_inputs()
    print(jax.jit(kernel)(*tuple(_d.values())))

</pallas_src>

<mosaic_0001>
#map = affine_map<(d0, d1) -> (0, 0)>
#map1 = affine_map<(d0, d1) -> (0, 0, 0, 0)>
#map2 = affine_map<(d0, d1) -> (0, 0, 0)>
module attributes {stable_mosaic.version = 14 : i64} {
  func.func @sc_scatter(%arg0: i32, %arg1: i32, %arg2: memref<20480x32xi32, #tpu.memory_space<hbm>>, %arg3: memref<2x16x158x128xi32, #tpu.memory_space<hbm>>, %arg4: memref<16x158x128xi32, #tpu.memory_space<hbm>>, %arg5: memref<2528x2048xf32, #tpu.memory_space<hbm>>, %arg6: memref<2x10240x64xf32, #tpu.memory_space<hbm>>, %arg7: memref<158x128xi32, #tpu.memory_space<vmem>>, %arg8: memref<158x128xi32, #tpu.memory_space<vmem>>, %arg9: memref<2048xf32, #tpu.memory_space<vmem>>, %arg10: memref<2048xf32, #tpu.memory_space<vmem>>, %arg11: memref<128x32xi32, #tpu.memory_space<vmem>>, %arg12: memref<128x32xi32, #tpu.memory_space<vmem>>, %arg13: memref<128x64xf32, #tpu.memory_space<vmem>>, %arg14: memref<10240x64xf32, #tpu.memory_space<vmem_shared>>, %arg15: memref<!tpu.dma_semaphore, #tpu.memory_space<semaphore_mem>>, %arg16: memref<!tpu.dma_semaphore, #tpu.memory_space<semaphore_mem>>) attributes {dimension_semantics = [#tpu.dimension_semantics<core_parallel>, #tpu.dimension_semantics<subcore_parallel>], iteration_bounds = array<i64: 2, 16>, scalar_prefetch = 0 : i64, scratch_operands = 10 : i64, tpu.core_type = #tpu.core_type<sc_vector_subcore>, window_params = [{transform_indices = #map}, {transform_indices = #map1}, {transform_indices = #map2}, {transform_indices = #map}, {transform_indices = #map2}]} {
    "tpu.region"() ({
      %run_scoped3A = tpu.sem_alloc : memref<!tpu.dma_semaphore, #tpu.memory_space<semaphore_mem>>
      %dma_start3A_79 = arith.constant 0 : i32
      %dma_start3A_80 = arith.constant 0 : i32
      %dma_start3A_81 = tpu.memref_slice %arg3[%arg0, %arg1, %dma_start3A_79, %dma_start3A_80] : memref<2x16x158x128xi32, #tpu.memory_space<hbm>> -> memref<1x1x158x128xi32, #tpu.memory_space<hbm>>
      %dma_start3A_82 = tpu.memref_squeeze %dma_start3A_81 : memref<1x1x158x128xi32, #tpu.memory_space<hbm>> -> memref<158x128xi32, #tpu.memory_space<hbm>>
      %dma_start3A_83 = arith.constant 0 : i32
      %dma_start3A_84 = arith.constant 0 : i32
      %dma_start3A_85 = tpu.memref_slice %arg3[%arg0, %arg1, %dma_start3A_83, %dma_start3A_84] : memref<2x16x158x128xi32, #tpu.memory_space<hbm>> -> memref<1x1x158x128xi32, #tpu.memory_space<hbm>>
      %dma_start3A_86 = tpu.memref_squeeze %dma_start3A_85 : memref<1x1x158x128xi32, #tpu.memory_space<hbm>> -> memref<158x128xi32, #tpu.memory_space<hbm>>
      tpu.enqueue_dma source(%dma_start3A_86 : memref<158x128xi32, #tpu.memory_space<hbm>>) target(%arg7 : memref<158x128xi32, #tpu.memory_space<vmem>>) target_semaphore(%run_scoped3A : memref<!tpu.dma_semaphore, #tpu.memory_space<semaphore_mem>>)
      %dma_wait3A = arith.constant 0 : i32
      %dma_wait3A_87 = arith.constant 0 : i32
      %dma_wait3A_88 = tpu.memref_slice %arg3[%arg0, %arg1, %dma_wait3A, %dma_wait3A_87] : memref<2x16x158x128xi32, #tpu.memory_space<hbm>> -> memref<1x1x158x128xi32, #tpu.memory_space<hbm>>
      %dma_wait3A_89 = tpu.memref_squeeze %dma_wait3A_88 : memref<1x1x158x128xi32, #tpu.memory_space<hbm>> -> memref<158x128xi32, #tpu.memory_space<hbm>>
      %dma_wait3A_90 = arith.constant 0 : i32
      %dma_wait3A_91 = arith.constant 0 : i32
      %dma_wait3A_92 = tpu.memref_slice %arg3[%arg0, %arg1, %dma_wait3A_90, %dma_wait3A_91] : memref<2x16x158x128xi32, #tpu.memory_space<hbm>> -> memref<1x1x158x128xi32, #tpu.memory_space<hbm>>
      %dma_wait3A_93 = tpu.memref_squeeze %dma_wait3A_92 : memref<1x1x158x128xi32, #tpu.memory_space<hbm>> -> memref<158x128xi32, #tpu.memory_space<hbm>>
      tpu.wait_dma2 semaphore(%run_scoped3A : memref<!tpu.dma_semaphore, #tpu.memory_space<semaphore_mem>>) src(%dma_wait3A_93 : memref<158x128xi32, #tpu.memory_space<hbm>>) dst(%arg7 : memref<158x128xi32, #tpu.memory_space<vmem>>)
      tpu.yield
    }) : () -> ()
    "tpu.region"() ({
      %run_scoped3A = tpu.sem_alloc : memref<!tpu.dma_semaphore, #tpu.memory_space<semaphore_mem>>
      %dma_start3A_79 = arith.constant 0 : i32
      %dma_start3A_80 = arith.constant 0 : i32
      %dma_start3A_81 = tpu.memref_slice %arg4[%arg1, %dma_start3A_79, %dma_start3A_80] : memref<16x158x128xi32, #tpu.memory_space<hbm>> -> memref<1x158x128xi32, #tpu.memory_space<hbm>>
      %dma_start3A_82 = tpu.memref_squeeze %dma_start3A_81 : memref<1x158x128xi32, #tpu.memory_space<hbm>> -> memref<158x128xi32, #tpu.memory_space<hbm>>
      %dma_start3A_83 = arith.constant 0 : i32
      %dma_start3A_84 = arith.constant 0 : i32
      %dma_start3A_85 = tpu.memref_slice %arg4[%arg1, %dma_start3A_83, %dma_start3A_84] : memref<16x158x128xi32, #tpu.memory_space<hbm>> -> memref<1x158x128xi32, #tpu.memory_space<hbm>>
      %dma_start3A_86 = tpu.memref_squeeze %dma_start3A_85 : memref<1x158x128xi32, #tpu.memory_space<hbm>> -> memref<158x128xi32, #tpu.memory_space<hbm>>
      tpu.enqueue_dma source(%dma_start3A_86 : memref<158x128xi32, #tpu.memory_space<hbm>>) target(%arg8 : memref<158x128xi32, #tpu.memory_space<vmem>>) target_semaphore(%run_scoped3A : memref<!tpu.dma_semaphore, #tpu.memory_space<semaphore_mem>>)
      %dma_wait3A = arith.constant 0 : i32
      %dma_wait3A_87 = arith.constant 0 : i32
      %dma_wait3A_88 = tpu.memref_slice %arg4[%arg1, %dma_wait3A, %dma_wait3A_87] : memref<16x158x128xi32, #tpu.memory_space<hbm>> -> memref<1x158x128xi32, #tpu.memory_space<hbm>>
      %dma_wait3A_89 = tpu.memref_squeeze %dma_wait3A_88 : memref<1x158x128xi32, #tpu.memory_space<hbm>> -> memref<158x128xi32, #tpu.memory_space<hbm>>
      %dma_wait3A_90 = arith.constant 0 : i32
      %dma_wait3A_91 = arith.constant 0 : i32
      %dma_wait3A_92 = tpu.memref_slice %arg4[%arg1, %dma_wait3A_90, %dma_wait3A_91] : memref<16x158x128xi32, #tpu.memory_space<hbm>> -> memref<1x158x128xi32, #tpu.memory_space<hbm>>
      %dma_wait3A_93 = tpu.memref_squeeze %dma_wait3A_92 : memref<1x158x128xi32, #tpu.memory_space<hbm>> -> memref<158x128xi32, #tpu.memory_space<hbm>>
      tpu.wait_dma2 semaphore(%run_scoped3A : memref<!tpu.dma_semaphore, #tpu.memory_space<semaphore_mem>>) src(%dma_wait3A_93 : memref<158x128xi32, #tpu.memory_space<hbm>>) dst(%arg8 : memref<158x128xi32, #tpu.memory_space<vmem>>)
      tpu.yield
    }) : () -> ()
    %parallel_loop3A = arith.constant 0 : i32
    %parallel_loop3A_0 = arith.constant 128 : i32
    %parallel_loop3A_1 = arith.constant 1 : i32
    scf.for %parallel_loop3A_79 = %parallel_loop3A to %parallel_loop3A_0 step %parallel_loop3A_1  : i32 {
      %parallel_loop3A_80 = arith.constant 0.000000e+00 : f32
      %parallel_loop3A_81 = vector.broadcast %parallel_loop3A_80 : f32 to vector<16xf32>
      %parallel_loop3A_82 = arith.index_cast %parallel_loop3A_79 : i32 to index
      %parallel_loop3A_83 = arith.constant 0 : index
      %parallel_loop3A_84 = tpu.vector_load %arg13[%parallel_loop3A_82, %parallel_loop3A_83] {strides = array<i32>} : memref<128x64xf32, #tpu.memory_space<vmem>>, vector<1x16xf32>,
      %parallel_loop3A_85 = vector.shape_cast %parallel_loop3A_84 : vector<1x16xf32> to vector<16xf32>
      %parallel_loop3A_86 = vector.shape_cast %parallel_loop3A_81 : vector<16xf32> to vector<1x16xf32>
      tpu.vector_store %arg13[%parallel_loop3A_82, %parallel_loop3A_83], %parallel_loop3A_86 {strides = array<i32>} : memref<128x64xf32, #tpu.memory_space<vmem>>, vector<1x16xf32>,
      %parallel_loop3A_87 = arith.constant 0.000000e+00 : f32
      %parallel_loop3A_88 = vector.broadcast %parallel_loop3A_87 : f32 to vector<16xf32>
      %parallel_loop3A_89 = arith.index_cast %parallel_loop3A_79 : i32 to index
      %parallel_loop3A_90 = arith.constant 16 : index
      %parallel_loop3A_91 = tpu.vector_load %arg13[%parallel_loop3A_89, %parallel_loop3A_90] {strides = array<i32>} : memref<128x64xf32, #tpu.memory_space<vmem>>, vector<1x16xf32>,
      %parallel_loop3A_92 = vector.shape_cast %parallel_loop3A_91 : vector<1x16xf32> to vector<16xf32>
      %parallel_loop3A_93 = vector.shape_cast %parallel_loop3A_88 : vector<16xf32> to vector<1x16xf32>
      tpu.vector_store %arg13[%parallel_loop3A_89, %parallel_loop3A_90], %parallel_loop3A_93 {strides = array<i32>} : memref<128x64xf32, #tpu.memory_space<vmem>>, vector<1x16xf32>,
      %parallel_loop3A_94 = arith.constant 0.000000e+00 : f32
      %parallel_loop3A_95 = vector.broadcast %parallel_loop3A_94 : f32 to vector<16xf32>
      %parallel_loop3A_96 = arith.index_cast %parallel_loop3A_79 : i32 to index
      %parallel_loop3A_97 = arith.constant 32 : index
      %parallel_loop3A_98 = tpu.vector_load %arg13[%parallel_loop3A_96, %parallel_loop3A_97] {strides = array<i32>} : memref<128x64xf32, #tpu.memory_space<vmem>>, vector<1x16xf32>,
      %parallel_loop3A_99 = vector.shape_cast %parallel_loop3A_98 : vector<1x16xf32> to vector<16xf32>
      %parallel_loop3A_100 = vector.shape_cast %parallel_loop3A_95 : vector<16xf32> to vector<1x16xf32>
      tpu.vector_store %arg13[%parallel_loop3A_96, %parallel_loop3A_97], %parallel_loop3A_100 {strides = array<i32>} : memref<128x64xf32, #tpu.memory_space<vmem>>, vector<1x16xf32>,
      %parallel_loop3A_101 = arith.constant 0.000000e+00 : f32
      %parallel_loop3A_102 = vector.broadcast %parallel_loop3A_101 : f32 to vector<16xf32>
      %parallel_loop3A_103 = arith.index_cast %parallel_loop3A_79 : i32 to index
      %parallel_loop3A_104 = arith.constant 48 : index
      %parallel_loop3A_105 = tpu.vector_load %arg13[%parallel_loop3A_103, %parallel_loop3A_104] {strides = array<i32>} : memref<128x64xf32, #tpu.memory_space<vmem>>, vector<1x16xf32>,
      %parallel_loop3A_106 = vector.shape_cast %parallel_loop3A_105 : vector<1x16xf32> to vector<16xf32>
      %parallel_loop3A_107 = vector.shape_cast %parallel_loop3A_102 : vector<16xf32> to vector<1x16xf32>
      tpu.vector_store %arg13[%parallel_loop3A_103, %parallel_loop3A_104], %parallel_loop3A_107 {strides = array<i32>} : memref<128x64xf32, #tpu.memory_space<vmem>>, vector<1x16xf32>,
    } {sc.loop_unroll_factor = 8 : i64, sc.parallel_access}
    %mul3A = arith.constant 640 : i32
    %mul3A_2 = arith.muli %arg1, %mul3A : i32
    %add3A = arith.constant 0 : i32
    %add3A_3 = arith.addi %mul3A_2, %add3A : i32
    "tpu.region"() ({
      %run_scoped3A = tpu.sem_alloc : memref<!tpu.dma_semaphore, #tpu.memory_space<semaphore_mem>>
      %dma_start3A_79 = arith.constant 0 : i32
      %dma_start3A_80 = arith.constant 0 : i32
      %dma_start3A_81 = tpu.memref_slice %arg13[%dma_start3A_79, %dma_start3A_80] : memref<128x64xf32, #tpu.memory_space<vmem>> -> memref<128x64xf32, #tpu.memory_space<vmem>>
      %dma_start3A_82 = arith.constant 0 : i32
      %dma_start3A_83 = tpu.memref_slice %arg14[%add3A_3, %dma_start3A_82] : memref<10240x64xf32, #tpu.memory_space<vmem_shared>> -> memref<128x64xf32, #tpu.memory_space<vmem_shared>>
      %dma_start3A_84 = arith.constant 0 : i32
      %dma_start3A_85 = tpu.memref_slice %arg14[%add3A_3, %dma_start3A_84] : memref<10240x64xf32, #tpu.memory_space<vmem_shared>> -> memref<128x64xf32, #tpu.memory_space<vmem_shared>>
      %dma_start3A_86 = arith.constant 0 : i32
      %dma_start3A_87 = arith.constant 0 : i32
      %dma_start3A_88 = tpu.memref_slice %arg13[%dma_start3A_86, %dma_start3A_87] : memref<128x64xf32, #tpu.memory_space<vmem>> -> memref<128x64xf32, #tpu.memory_space<vmem>>
      tpu.enqueue_dma source(%dma_start3A_88 : memref<128x64xf32, #tpu.memory_space<vmem>>) target(%dma_start3A_85 : memref<128x64xf32, #tpu.memory_space<vmem_shared>>) target_semaphore(%run_scoped3A : memref<!tpu.dma_semaphore, #tpu.memory_space<semaphore_mem>>)
      %dma_wait3A = arith.constant 0 : i32
      %dma_wait3A_89 = arith.constant 0 : i32
      %dma_wait3A_90 = tpu.memref_slice %arg13[%dma_wait3A, %dma_wait3A_89] : memref<128x64xf32, #tpu.memory_space<vmem>> -> memref<128x64xf32, #tpu.memory_space<vmem>>
      %dma_wait3A_91 = arith.constant 0 : i32
      %dma_wait3A_92 = tpu.memref_slice %arg14[%add3A_3, %dma_wait3A_91] : memref<10240x64xf32, #tpu.memory_space<vmem_shared>> -> memref<128x64xf32, #tpu.memory_space<vmem_shared>>
      %dma_wait3A_93 = arith.constant 0 : i32
      %dma_wait3A_94 = tpu.memref_slice %arg14[%add3A_3, %dma_wait3A_93] : memref<10240x64xf32, #tpu.memory_space<vmem_shared>> -> memref<128x64xf32, #tpu.memory_space<vmem_shared>>
      %dma_wait3A_95 = arith.constant 0 : i32
      %dma_wait3A_96 = arith.constant 0 : i32
      %dma_wait3A_97 = tpu.memref_slice %arg13[%dma_wait3A_95, %dma_wait3A_96] : memref<128x64xf32, #tpu.memory_space<vmem>> -> memref<128x64xf32, #tpu.memory_space<vmem>>
      tpu.wait_dma2 semaphore(%run_scoped3A : memref<!tpu.dma_semaphore, #tpu.memory_space<semaphore_mem>>) src(%dma_wait3A_97 : memref<128x64xf32, #tpu.memory_space<vmem>>) dst(%dma_wait3A_94 : memref<128x64xf32, #tpu.memory_space<vmem_shared>>)
      tpu.yield
    }) : () -> ()
    %mul3A_4 = arith.constant 640 : i32
    %mul3A_5 = arith.muli %arg1, %mul3A_4 : i32
    %add3A_6 = arith.constant 128 : i32
    %add3A_7 = arith.addi %mul3A_5, %add3A_6 : i32
    "tpu.region"() ({
      %run_scoped3A = tpu.sem_alloc : memref<!tpu.dma_semaphore, #tpu.memory_space<semaphore_mem>>
      %dma_start3A_79 = arith.constant 0 : i32
      %dma_start3A_80 = arith.constant 0 : i32
      %dma_start3A_81 = tpu.memref_slice %arg13[%dma_start3A_79, %dma_start3A_80] : memref<128x64xf32, #tpu.memory_space<vmem>> -> memref<128x64xf32, #tpu.memory_space<vmem>>
      %dma_start3A_82 = arith.constant 0 : i32
      %dma_start3A_83 = tpu.memref_slice %arg14[%add3A_7, %dma_start3A_82] : memref<10240x64xf32, #tpu.memory_space<vmem_shared>> -> memref<128x64xf32, #tpu.memory_space<vmem_shared>>
      %dma_start3A_84 = arith.constant 0 : i32
      %dma_start3A_85 = tpu.memref_slice %arg14[%add3A_7, %dma_start3A_84] : memref<10240x64xf32, #tpu.memory_space<vmem_shared>> -> memref<128x64xf32, #tpu.memory_space<vmem_shared>>
      %dma_start3A_86 = arith.constant 0 : i32
      %dma_start3A_87 = arith.constant 0 : i32
      %dma_start3A_88 = tpu.memref_slice %arg13[%dma_start3A_86, %dma_start3A_87] : memref<128x64xf32, #tpu.memory_space<vmem>> -> memref<128x64xf32, #tpu.memory_space<vmem>>
      tpu.enqueue_dma source(%dma_start3A_88 : memref<128x64xf32, #tpu.memory_space<vmem>>) target(%dma_start3A_85 : memref<128x64xf32, #tpu.memory_space<vmem_shared>>) target_semaphore(%run_scoped3A : memref<!tpu.dma_semaphore, #tpu.memory_space<semaphore_mem>>)
      %dma_wait3A = arith.constant 0 : i32
      %dma_wait3A_89 = arith.constant 0 : i32
      %dma_wait3A_90 = tpu.memref_slice %arg13[%dma_wait3A, %dma_wait3A_89] : memref<128x64xf32, #tpu.memory_space<vmem>> -> memref<128x64xf32, #tpu.memory_space<vmem>>
      %dma_wait3A_91 = arith.constant 0 : i32
      %dma_wait3A_92 = tpu.memref_slice %arg14[%add3A_7, %dma_wait3A_91] : memref<10240x64xf32, #tpu.memory_space<vmem_shared>> -> memref<128x64xf32, #tpu.memory_space<vmem_shared>>
      %dma_wait3A_93 = arith.constant 0 : i32
      %dma_wait3A_94 = tpu.memref_slice %arg14[%add3A_7, %dma_wait3A_93] : memref<10240x64xf32, #tpu.memory_space<vmem_shared>> -> memref<128x64xf32, #tpu.memory_space<vmem_shared>>
      %dma_wait3A_95 = arith.constant 0 : i32
      %dma_wait3A_96 = arith.constant 0 : i32
      %dma_wait3A_97 = tpu.memref_slice %arg13[%dma_wait3A_95, %dma_wait3A_96] : memref<128x64xf32, #tpu.memory_space<vmem>> -> memref<128x64xf32, #tpu.memory_space<vmem>>
      tpu.wait_dma2 semaphore(%run_scoped3A : memref<!tpu.dma_semaphore, #tpu.memory_space<semaphore_mem>>) src(%dma_wait3A_97 : memref<128x64xf32, #tpu.memory_space<vmem>>) dst(%dma_wait3A_94 : memref<128x64xf32, #tpu.memory_space<vmem_shared>>)
      tpu.yield
    }) : () -> ()
    %mul3A_8 = arith.constant 640 : i32
    %mul3A_9 = arith.muli %arg1, %mul3A_8 : i32
    %add3A_10 = arith.constant 256 : i32
    %add3A_11 = arith.addi %mul3A_9, %add3A_10 : i32
    "tpu.region"() ({
      %run_scoped3A = tpu.sem_alloc : memref<!tpu.dma_semaphore, #tpu.memory_space<semaphore_mem>>
      %dma_start3A_79 = arith.constant 0 : i32
      %dma_start3A_80 = arith.constant 0 : i32
      %dma_start3A_81 = tpu.memref_slice %arg13[%dma_start3A_79, %dma_start3A_80] : memref<128x64xf32, #tpu.memory_space<vmem>> -> memref<128x64xf32, #tpu.memory_space<vmem>>
      %dma_start3A_82 = arith.constant 0 : i32
      %dma_start3A_83 = tpu.memref_slice %arg14[%add3A_11, %dma_start3A_82] : memref<10240x64xf32, #tpu.memory_space<vmem_shared>> -> memref<128x64xf32, #tpu.memory_space<vmem_shared>>
      %dma_start3A_84 = arith.constant 0 : i32
      %dma_start3A_85 = tpu.memref_slice %arg14[%add3A_11, %dma_start3A_84] : memref<10240x64xf32, #tpu.memory_space<vmem_shared>> -> memref<128x64xf32, #tpu.memory_space<vmem_shared>>
      %dma_start3A_86 = arith.constant 0 : i32
      %dma_start3A_87 = arith.constant 0 : i32
      %dma_start3A_88 = tpu.memref_slice %arg13[%dma_start3A_86, %dma_start3A_87] : memref<128x64xf32, #tpu.memory_space<vmem>> -> memref<128x64xf32, #tpu.memory_space<vmem>>
      tpu.enqueue_dma source(%dma_start3A_88 : memref<128x64xf32, #tpu.memory_space<vmem>>) target(%dma_start3A_85 : memref<128x64xf32, #tpu.memory_space<vmem_shared>>) target_semaphore(%run_scoped3A : memref<!tpu.dma_semaphore, #tpu.memory_space<semaphore_mem>>)
      %dma_wait3A = arith.constant 0 : i32
      %dma_wait3A_89 = arith.constant 0 : i32
      %dma_wait3A_90 = tpu.memref_slice %arg13[%dma_wait3A, %dma_wait3A_89] : memref<128x64xf32, #tpu.memory_space<vmem>> -> memref<128x64xf32, #tpu.memory_space<vmem>>
      %dma_wait3A_91 = arith.constant 0 : i32
      %dma_wait3A_92 = tpu.memref_slice %arg14[%add3A_11, %dma_wait3A_91] : memref<10240x64xf32, #tpu.memory_space<vmem_shared>> -> memref<128x64xf32, #tpu.memory_space<vmem_shared>>
      %dma_wait3A_93 = arith.constant 0 : i32
      %dma_wait3A_94 = tpu.memref_slice %arg14[%add3A_11, %dma_wait3A_93] : memref<10240x64xf32, #tpu.memory_space<vmem_shared>> -> memref<128x64xf32, #tpu.memory_space<vmem_shared>>
      %dma_wait3A_95 = arith.constant 0 : i32
      %dma_wait3A_96 = arith.constant 0 : i32
      %dma_wait3A_97 = tpu.memref_slice %arg13[%dma_wait3A_95, %dma_wait3A_96] : memref<128x64xf32, #tpu.memory_space<vmem>> -> memref<128x64xf32, #tpu.memory_space<vmem>>
      tpu.wait_dma2 semaphore(%run_scoped3A : memref<!tpu.dma_semaphore, #tpu.memory_space<semaphore_mem>>) src(%dma_wait3A_97 : memref<128x64xf32, #tpu.memory_space<vmem>>) dst(%dma_wait3A_94 : memref<128x64xf32, #tpu.memory_space<vmem_shared>>)
      tpu.yield
    }) : () -> ()
    %mul3A_12 = arith.constant 640 : i32
    %mul3A_13 = arith.muli %arg1, %mul3A_12 : i32
    %add3A_14 = arith.constant 384 : i32
    %add3A_15 = arith.addi %mul3A_13, %add3A_14 : i32
    "tpu.region"() ({
      %run_scoped3A = tpu.sem_alloc : memref<!tpu.dma_semaphore, #tpu.memory_space<semaphore_mem>>
      %dma_start3A_79 = arith.constant 0 : i32
      %dma_start3A_80 = arith.constant 0 : i32
      %dma_start3A_81 = tpu.memref_slice %arg13[%dma_start3A_79, %dma_start3A_80] : memref<128x64xf32, #tpu.memory_space<vmem>> -> memref<128x64xf32, #tpu.memory_space<vmem>>
      %dma_start3A_82 = arith.constant 0 : i32
      %dma_start3A_83 = tpu.memref_slice %arg14[%add3A_15, %dma_start3A_82] : memref<10240x64xf32, #tpu.memory_space<vmem_shared>> -> memref<128x64xf32, #tpu.memory_space<vmem_shared>>
      %dma_start3A_84 = arith.constant 0 : i32
      %dma_start3A_85 = tpu.memref_slice %arg14[%add3A_15, %dma_start3A_84] : memref<10240x64xf32, #tpu.memory_space<vmem_shared>> -> memref<128x64xf32, #tpu.memory_space<vmem_shared>>
      %dma_start3A_86 = arith.constant 0 : i32
      %dma_start3A_87 = arith.constant 0 : i32
      %dma_start3A_88 = tpu.memref_slice %arg13[%dma_start3A_86, %dma_start3A_87] : memref<128x64xf32, #tpu.memory_space<vmem>> -> memref<128x64xf32, #tpu.memory_space<vmem>>
      tpu.enqueue_dma source(%dma_start3A_88 : memref<128x64xf32, #tpu.memory_space<vmem>>) target(%dma_start3A_85 : memref<128x64xf32, #tpu.memory_space<vmem_shared>>) target_semaphore(%run_scoped3A : memref<!tpu.dma_semaphore, #tpu.memory_space<semaphore_mem>>)
      %dma_wait3A = arith.constant 0 : i32
      %dma_wait3A_89 = arith.constant 0 : i32
      %dma_wait3A_90 = tpu.memref_slice %arg13[%dma_wait3A, %dma_wait3A_89] : memref<128x64xf32, #tpu.memory_space<vmem>> -> memref<128x64xf32, #tpu.memory_space<vmem>>
      %dma_wait3A_91 = arith.constant 0 : i32
      %dma_wait3A_92 = tpu.memref_slice %arg14[%add3A_15, %dma_wait3A_91] : memref<10240x64xf32, #tpu.memory_space<vmem_shared>> -> memref<128x64xf32, #tpu.memory_space<vmem_shared>>
      %dma_wait3A_93 = arith.constant 0 : i32
      %dma_wait3A_94 = tpu.memref_slice %arg14[%add3A_15, %dma_wait3A_93] : memref<10240x64xf32, #tpu.memory_space<vmem_shared>> -> memref<128x64xf32, #tpu.memory_space<vmem_shared>>
      %dma_wait3A_95 = arith.constant 0 : i32
      %dma_wait3A_96 = arith.constant 0 : i32
      %dma_wait3A_97 = tpu.memref_slice %arg13[%dma_wait3A_95, %dma_wait3A_96] : memref<128x64xf32, #tpu.memory_space<vmem>> -> memref<128x64xf32, #tpu.memory_space<vmem>>
      tpu.wait_dma2 semaphore(%run_scoped3A : memref<!tpu.dma_semaphore, #tpu.memory_space<semaphore_mem>>) src(%dma_wait3A_97 : memref<128x64xf32, #tpu.memory_space<vmem>>) dst(%dma_wait3A_94 : memref<128x64xf32, #tpu.memory_space<vmem_shared>>)
      tpu.yield
    }) : () -> ()
    %mul3A_16 = arith.constant 640 : i32
    %mul3A_17 = arith.muli %arg1, %mul3A_16 : i32
    %add3A_18 = arith.constant 512 : i32
    %add3A_19 = arith.addi %mul3A_17, %add3A_18 : i32
    "tpu.region"() ({
      %run_scoped3A = tpu.sem_alloc : memref<!tpu.dma_semaphore, #tpu.memory_space<semaphore_mem>>
      %dma_start3A_79 = arith.constant 0 : i32
      %dma_start3A_80 = arith.constant 0 : i32
      %dma_start3A_81 = tpu.memref_slice %arg13[%dma_start3A_79, %dma_start3A_80] : memref<128x64xf32, #tpu.memory_space<vmem>> -> memref<128x64xf32, #tpu.memory_space<vmem>>
      %dma_start3A_82 = arith.constant 0 : i32
      %dma_start3A_83 = tpu.memref_slice %arg14[%add3A_19, %dma_start3A_82] : memref<10240x64xf32, #tpu.memory_space<vmem_shared>> -> memref<128x64xf32, #tpu.memory_space<vmem_shared>>
      %dma_start3A_84 = arith.constant 0 : i32
      %dma_start3A_85 = tpu.memref_slice %arg14[%add3A_19, %dma_start3A_84] : memref<10240x64xf32, #tpu.memory_space<vmem_shared>> -> memref<128x64xf32, #tpu.memory_space<vmem_shared>>
      %dma_start3A_86 = arith.constant 0 : i32
      %dma_start3A_87 = arith.constant 0 : i32
      %dma_start3A_88 = tpu.memref_slice %arg13[%dma_start3A_86, %dma_start3A_87] : memref<128x64xf32, #tpu.memory_space<vmem>> -> memref<128x64xf32, #tpu.memory_space<vmem>>
      tpu.enqueue_dma source(%dma_start3A_88 : memref<128x64xf32, #tpu.memory_space<vmem>>) target(%dma_start3A_85 : memref<128x64xf32, #tpu.memory_space<vmem_shared>>) target_semaphore(%run_scoped3A : memref<!tpu.dma_semaphore, #tpu.memory_space<semaphore_mem>>)
      %dma_wait3A = arith.constant 0 : i32
      %dma_wait3A_89 = arith.constant 0 : i32
      %dma_wait3A_90 = tpu.memref_slice %arg13[%dma_wait3A, %dma_wait3A_89] : memref<128x64xf32, #tpu.memory_space<vmem>> -> memref<128x64xf32, #tpu.memory_space<vmem>>
      %dma_wait3A_91 = arith.constant 0 : i32
      %dma_wait3A_92 = tpu.memref_slice %arg14[%add3A_19, %dma_wait3A_91] : memref<10240x64xf32, #tpu.memory_space<vmem_shared>> -> memref<128x64xf32, #tpu.memory_space<vmem_shared>>
      %dma_wait3A_93 = arith.constant 0 : i32
      %dma_wait3A_94 = tpu.memref_slice %arg14[%add3A_19, %dma_wait3A_93] : memref<10240x64xf32, #tpu.memory_space<vmem_shared>> -> memref<128x64xf32, #tpu.memory_space<vmem_shared>>
      %dma_wait3A_95 = arith.constant 0 : i32
      %dma_wait3A_96 = arith.constant 0 : i32
      %dma_wait3A_97 = tpu.memref_slice %arg13[%dma_wait3A_95, %dma_wait3A_96] : memref<128x64xf32, #tpu.memory_space<vmem>> -> memref<128x64xf32, #tpu.memory_space<vmem>>
      tpu.wait_dma2 semaphore(%run_scoped3A : memref<!tpu.dma_semaphore, #tpu.memory_space<semaphore_mem>>) src(%dma_wait3A_97 : memref<128x64xf32, #tpu.memory_space<vmem>>) dst(%dma_wait3A_94 : memref<128x64xf32, #tpu.memory_space<vmem_shared>>)
      tpu.yield
    }) : () -> ()
    %barrier3A = arith.constant 0 : index
    tpu.barrier barrier_id(%barrier3A)
    %dma_start3A = arith.constant 0 : i32
    %dma_start3A_20 = arith.constant 0 : i32
    %dma_start3A_21 = tpu.memref_slice %arg7[%dma_start3A, %dma_start3A_20] : memref<158x128xi32, #tpu.memory_space<vmem>> -> memref<1x128xi32, #tpu.memory_space<vmem>>
    %dma_start3A_22 = tpu.memref_squeeze %dma_start3A_21 : memref<1x128xi32, #tpu.memory_space<vmem>> -> memref<128xi32, #tpu.memory_space<vmem>>
    %dma_start3A_23 = arith.constant 0 : i32
    %dma_start3A_24 = arith.constant 0 : i32
    %dma_start3A_25 = tpu.memref_slice %arg2[%dma_start3A_23, %dma_start3A_24] : memref<20480x32xi32, #tpu.memory_space<hbm>> -> memref<20480x32xi32, #tpu.memory_space<hbm>>
    tpu.enqueue_indirect_dma source(%dma_start3A_25 : memref<20480x32xi32, #tpu.memory_space<hbm>>) target(%arg11 : memref<128x32xi32, #tpu.memory_space<vmem>>) offsets(%dma_start3A_22 : memref<128xi32, #tpu.memory_space<vmem>>) semaphore(%arg15 : memref<!tpu.dma_semaphore, #tpu.memory_space<semaphore_mem>>)
    %mul3A_26 = arith.constant 158 : i32
    %mul3A_27 = arith.muli %arg1, %mul3A_26 : i32
    %add3A_28 = arith.constant 0 : i32
    %add3A_29 = arith.addi %mul3A_27, %add3A_28 : i32
    %dma_start3A_30 = arith.constant 0 : i32
    %dma_start3A_31 = tpu.memref_slice %arg5[%add3A_29, %dma_start3A_30] : memref<2528x2048xf32, #tpu.memory_space<hbm>> -> memref<1x2048xf32, #tpu.memory_space<hbm>>
    %dma_start3A_32 = tpu.memref_squeeze %dma_start3A_31 : memref<1x2048xf32, #tpu.memory_space<hbm>> -> memref<2048xf32, #tpu.memory_space<hbm>>
    %dma_start3A_33 = arith.constant 0 : i32
    %dma_start3A_34 = tpu.memref_slice %arg5[%add3A_29, %dma_start3A_33] : memref<2528x2048xf32, #tpu.memory_space<hbm>> -> memref<1x2048xf32, #tpu.memory_space<hbm>>
    %dma_start3A_35 = tpu.memref_squeeze %dma_start3A_34 : memref<1x2048xf32, #tpu.memory_space<hbm>> -> memref<2048xf32, #tpu.memory_space<hbm>>
    tpu.enqueue_dma source(%dma_start3A_35 : memref<2048xf32, #tpu.memory_space<hbm>>) target(%arg9 : memref<2048xf32, #tpu.memory_space<vmem>>) target_semaphore(%arg15 : memref<!tpu.dma_semaphore, #tpu.memory_space<semaphore_mem>>)
    %dma_start3A_36 = arith.constant 1 : i32
    %dma_start3A_37 = arith.constant 0 : i32
    %dma_start3A_38 = tpu.memref_slice %arg7[%dma_start3A_36, %dma_start3A_37] : memref<158x128xi32, #tpu.memory_space<vmem>> -> memref<1x128xi32, #tpu.memory_space<vmem>>
    %dma_start3A_39 = tpu.memref_squeeze %dma_start3A_38 : memref<1x128xi32, #tpu.memory_space<vmem>> -> memref<128xi32, #tpu.memory_space<vmem>>
    %dma_start3A_40 = arith.constant 0 : i32
    %dma_start3A_41 = arith.constant 0 : i32
    %dma_start3A_42 = tpu.memref_slice %arg2[%dma_start3A_40, %dma_start3A_41] : memref<20480x32xi32, #tpu.memory_space<hbm>> -> memref<20480x32xi32, #tpu.memory_space<hbm>>
    tpu.enqueue_indirect_dma source(%dma_start3A_42 : memref<20480x32xi32, #tpu.memory_space<hbm>>) target(%arg12 : memref<128x32xi32, #tpu.memory_space<vmem>>) offsets(%dma_start3A_39 : memref<128xi32, #tpu.memory_space<vmem>>) semaphore(%arg16 : memref<!tpu.dma_semaphore, #tpu.memory_space<semaphore_mem>>)
    %mul3A_43 = arith.constant 158 : i32
    %mul3A_44 = arith.muli %arg1, %mul3A_43 : i32
    %add3A_45 = arith.constant 1 : i32
    %add3A_46 = arith.addi %mul3A_44, %add3A_45 : i32
    %dma_start3A_47 = arith.constant 0 : i32
    %dma_start3A_48 = tpu.memref_slice %arg5[%add3A_46, %dma_start3A_47] : memref<2528x2048xf32, #tpu.memory_space<hbm>> -> memref<1x2048xf32, #tpu.memory_space<hbm>>
    %dma_start3A_49 = tpu.memref_squeeze %dma_start3A_48 : memref<1x2048xf32, #tpu.memory_space<hbm>> -> memref<2048xf32, #tpu.memory_space<hbm>>
    %dma_start3A_50 = arith.constant 0 : i32
    %dma_start3A_51 = tpu.memref_slice %arg5[%add3A_46, %dma_start3A_50] : memref<2528x2048xf32, #tpu.memory_space<hbm>> -> memref<1x2048xf32, #tpu.memory_space<hbm>>
    %dma_start3A_52 = tpu.memref_squeeze %dma_start3A_51 : memref<1x2048xf32, #tpu.memory_space<hbm>> -> memref<2048xf32, #tpu.memory_space<hbm>>
    tpu.enqueue_dma source(%dma_start3A_52 : memref<2048xf32, #tpu.memory_space<hbm>>) target(%arg10 : memref<2048xf32, #tpu.memory_space<vmem>>) target_semaphore(%arg16 : memref<!tpu.dma_semaphore, #tpu.memory_space<semaphore_mem>>)
    %scan3A = arith.constant 0 : i32
    %scan3A_53 = arith.constant 0 : i32
    %scan3A_54 = arith.constant 79 : i32
    %scan3A_55 = arith.addi %scan3A_53, %scan3A_54 : i32
    %scan3A_56 = arith.constant 1 : i32
    scf.for %scan3A_79 = %scan3A_53 to %scan3A_55 step %scan3A_56  : i32 {
      %mul3A_80 = arith.constant 2 : i32
      %mul3A_81 = arith.muli %mul3A_80, %scan3A_79 : i32
      %add3A_82 = arith.constant 0 : i32
      %add3A_83 = arith.addi %mul3A_81, %add3A_82 : i32
      %dma_wait3A = arith.constant 0 : i32
      %dma_wait3A_84 = arith.constant 0 : i32
      %dma_wait3A_85 = tpu.memref_slice %arg2[%dma_wait3A, %dma_wait3A_84] : memref<20480x32xi32, #tpu.memory_space<hbm>> -> memref<128x32xi32, #tpu.memory_space<hbm>>
      %dma_wait3A_86 = arith.constant 0 : i32
      %dma_wait3A_87 = arith.constant 0 : i32
      %dma_wait3A_88 = tpu.memref_slice %arg2[%dma_wait3A_86, %dma_wait3A_87] : memref<20480x32xi32, #tpu.memory_space<hbm>> -> memref<128x32xi32, #tpu.memory_space<hbm>>
      tpu.wait_dma2 semaphore(%arg15 : memref<!tpu.dma_semaphore, #tpu.memory_space<semaphore_mem>>) src(%dma_wait3A_88 : memref<128x32xi32, #tpu.memory_space<hbm>>) dst(%arg11 : memref<128x32xi32, #tpu.memory_space<vmem>>)
      %dma_wait3A_89 = arith.constant 0 : i32
      %dma_wait3A_90 = arith.constant 0 : i32
      %dma_wait3A_91 = tpu.memref_slice %arg5[%dma_wait3A_89, %dma_wait3A_90] : memref<2528x2048xf32, #tpu.memory_space<hbm>> -> memref<1x2048xf32, #tpu.memory_space<hbm>>
      %dma_wait3A_92 = tpu.memref_squeeze %dma_wait3A_91 : memref<1x2048xf32, #tpu.memory_space<hbm>> -> memref<2048xf32, #tpu.memory_space<hbm>>
      %dma_wait3A_93 = arith.constant 0 : i32
      %dma_wait3A_94 = tpu.memref_slice %arg5[%dma_wait3A_89, %dma_wait3A_93] : memref<2528x2048xf32, #tpu.memory_space<hbm>> -> memref<1x2048xf32, #tpu.memory_space<hbm>>
      %dma_wait3A_95 = tpu.memref_squeeze %dma_wait3A_94 : memref<1x2048xf32, #tpu.memory_space<hbm>> -> memref<2048xf32, #tpu.memory_space<hbm>>
      tpu.wait_dma2 semaphore(%arg15 : memref<!tpu.dma_semaphore, #tpu.memory_space<semaphore_mem>>) src(%dma_wait3A_95 : memref<2048xf32, #tpu.memory_space<hbm>>) dst(%arg9 : memref<2048xf32, #tpu.memory_space<vmem>>)
      %parallel_loop3A_96 = arith.constant 0 : i32
      %parallel_loop3A_97 = arith.constant 128 : i32
      %parallel_loop3A_98 = arith.constant 1 : i32
      scf.for %parallel_loop3A_130 = %parallel_loop3A_96 to %parallel_loop3A_97 step %parallel_loop3A_98  : i32 {
        %parallel_loop3A_131 = arith.constant 16 : i32
        %parallel_loop3A_132 = arith.muli %parallel_loop3A_131, %parallel_loop3A_130 : i32
        %parallel_loop3A_133 = arith.index_cast %parallel_loop3A_132 : i32 to index
        %parallel_loop3A_134 = tpu.vector_load %arg9[%parallel_loop3A_133] {strides = array<i32>} : memref<2048xf32, #tpu.memory_space<vmem>>, vector<16xf32>,
        %parallel_loop3A_135 = vector.shape_cast %parallel_loop3A_134 : vector<16xf32> to vector<16xf32>
        %parallel_loop3A_136 = arith.index_cast %parallel_loop3A_130 : i32 to index
        %parallel_loop3A_137 = arith.constant 0 : index
        %parallel_loop3A_138 = tpu.vector_load %arg11[%parallel_loop3A_136, %parallel_loop3A_137] {strides = array<i32>} : memref<128x32xi32, #tpu.memory_space<vmem>>, vector<1x16xi32>,
        %parallel_loop3A_139 = vector.shape_cast %parallel_loop3A_138 : vector<1x16xi32> to vector<16xi32>
        %parallel_loop3A_140 = arith.constant 16 : i32
        %parallel_loop3A_141 = vector.broadcast %parallel_loop3A_140 : i32 to vector<16xi32>
        %parallel_loop3A_142 = arith.shli %parallel_loop3A_139, %parallel_loop3A_141 : vector<16xi32>
        %parallel_loop3A_143 = arith.constant 16 : i32
        %parallel_loop3A_144 = vector.broadcast %parallel_loop3A_143 : i32 to vector<16xi32>
        %parallel_loop3A_145 = arith.shrsi %parallel_loop3A_142, %parallel_loop3A_144 : vector<16xi32>
        %parallel_loop3A_146 = arith.constant 16 : i32
        %parallel_loop3A_147 = vector.broadcast %parallel_loop3A_146 : i32 to vector<16xi32>
        %parallel_loop3A_148 = arith.shrsi %parallel_loop3A_139, %parallel_loop3A_147 : vector<16xi32>
        %parallel_loop3A_149 = arith.sitofp %parallel_loop3A_145 : vector<16xi32> to vector<16xf32>
        %parallel_loop3A_150 = arith.sitofp %parallel_loop3A_148 : vector<16xi32> to vector<16xf32>
        %parallel_loop3A_151 = arith.mulf %parallel_loop3A_149, %parallel_loop3A_135 : vector<16xf32>
        %parallel_loop3A_152 = arith.index_cast %parallel_loop3A_130 : i32 to index
        %parallel_loop3A_153 = arith.constant 0 : index
        %parallel_loop3A_154 = tpu.vector_load %arg13[%parallel_loop3A_152, %parallel_loop3A_153] {strides = array<i32>} : memref<128x64xf32, #tpu.memory_space<vmem>>, vector<1x16xf32>,
        %parallel_loop3A_155 = vector.shape_cast %parallel_loop3A_154 : vector<1x16xf32> to vector<16xf32>
        %parallel_loop3A_156 = vector.shape_cast %parallel_loop3A_151 : vector<16xf32> to vector<1x16xf32>
        tpu.vector_store %arg13[%parallel_loop3A_152, %parallel_loop3A_153], %parallel_loop3A_156 {strides = array<i32>} : memref<128x64xf32, #tpu.memory_space<vmem>>, vector<1x16xf32>,
        %parallel_loop3A_157 = arith.mulf %parallel_loop3A_150, %parallel_loop3A_135 : vector<16xf32>
        %parallel_loop3A_158 = arith.index_cast %parallel_loop3A_130 : i32 to index
        %parallel_loop3A_159 = arith.constant 16 : index
        %parallel_loop3A_160 = tpu.vector_load %arg13[%parallel_loop3A_158, %parallel_loop3A_159] {strides = array<i32>} : memref<128x64xf32, #tpu.memory_space<vmem>>, vector<1x16xf32>,
        %parallel_loop3A_161 = vector.shape_cast %parallel_loop3A_160 : vector<1x16xf32> to vector<16xf32>
        %parallel_loop3A_162 = vector.shape_cast %parallel_loop3A_157 : vector<16xf32> to vector<1x16xf32>
        tpu.vector_store %arg13[%parallel_loop3A_158, %parallel_loop3A_159], %parallel_loop3A_162 {strides = array<i32>} : memref<128x64xf32, #tpu.memory_space<vmem>>, vector<1x16xf32>,
        %parallel_loop3A_163 = arith.index_cast %parallel_loop3A_130 : i32 to index
        %parallel_loop3A_164 = arith.constant 16 : index
        %parallel_loop3A_165 = tpu.vector_load %arg11[%parallel_loop3A_163, %parallel_loop3A_164] {strides = array<i32>} : memref<128x32xi32, #tpu.memory_space<vmem>>, vector<1x16xi32>,
        %parallel_loop3A_166 = vector.shape_cast %parallel_loop3A_165 : vector<1x16xi32> to vector<16xi32>
        %parallel_loop3A_167 = arith.constant 16 : i32
        %parallel_loop3A_168 = vector.broadcast %parallel_loop3A_167 : i32 to vector<16xi32>
        %parallel_loop3A_169 = arith.shli %parallel_loop3A_166, %parallel_loop3A_168 : vector<16xi32>
        %parallel_loop3A_170 = arith.constant 16 : i32
        %parallel_loop3A_171 = vector.broadcast %parallel_loop3A_170 : i32 to vector<16xi32>
        %parallel_loop3A_172 = arith.shrsi %parallel_loop3A_169, %parallel_loop3A_171 : vector<16xi32>
        %parallel_loop3A_173 = arith.constant 16 : i32
        %parallel_loop3A_174 = vector.broadcast %parallel_loop3A_173 : i32 to vector<16xi32>
        %parallel_loop3A_175 = arith.shrsi %parallel_loop3A_166, %parallel_loop3A_174 : vector<16xi32>
        %parallel_loop3A_176 = arith.sitofp %parallel_loop3A_172 : vector<16xi32> to vector<16xf32>
        %parallel_loop3A_177 = arith.sitofp %parallel_loop3A_175 : vector<16xi32> to vector<16xf32>
        %parallel_loop3A_178 = arith.mulf %parallel_loop3A_176, %parallel_loop3A_135 : vector<16xf32>
        %parallel_loop3A_179 = arith.index_cast %parallel_loop3A_130 : i32 to index
        %parallel_loop3A_180 = arith.constant 32 : index
        %parallel_loop3A_181 = tpu.vector_load %arg13[%parallel_loop3A_179, %parallel_loop3A_180] {strides = array<i32>} : memref<128x64xf32, #tpu.memory_space<vmem>>, vector<1x16xf32>,
        %parallel_loop3A_182 = vector.shape_cast %parallel_loop3A_181 : vector<1x16xf32> to vector<16xf32>
        %parallel_loop3A_183 = vector.shape_cast %parallel_loop3A_178 : vector<16xf32> to vector<1x16xf32>
        tpu.vector_store %arg13[%parallel_loop3A_179, %parallel_loop3A_180], %parallel_loop3A_183 {strides = array<i32>} : memref<128x64xf32, #tpu.memory_space<vmem>>, vector<1x16xf32>,
        %parallel_loop3A_184 = arith.mulf %parallel_loop3A_177, %parallel_loop3A_135 : vector<16xf32>
        %parallel_loop3A_185 = arith.index_cast %parallel_loop3A_130 : i32 to index
        %parallel_loop3A_186 = arith.constant 48 : index
        %parallel_loop3A_187 = tpu.vector_load %arg13[%parallel_loop3A_185, %parallel_loop3A_186] {strides = array<i32>} : memref<128x64xf32, #tpu.memory_space<vmem>>, vector<1x16xf32>,
        %parallel_loop3A_188 = vector.shape_cast %parallel_loop3A_187 : vector<1x16xf32> to vector<16xf32>
        %parallel_loop3A_189 = vector.shape_cast %parallel_loop3A_184 : vector<16xf32> to vector<1x16xf32>
        tpu.vector_store %arg13[%parallel_loop3A_185, %parallel_loop3A_186], %parallel_loop3A_189 {strides = array<i32>} : memref<128x64xf32, #tpu.memory_space<vmem>>, vector<1x16xf32>,
      } {sc.loop_unroll_factor = 8 : i64, sc.parallel_access}
      "tpu.region"() ({
        %run_scoped3A = tpu.sem_alloc : memref<!tpu.dma_semaphore, #tpu.memory_space<semaphore_mem>>
        %dma_start3A_130 = arith.constant 0 : i32
        %dma_start3A_131 = tpu.memref_slice %arg8[%add3A_83, %dma_start3A_130] : memref<158x128xi32, #tpu.memory_space<vmem>> -> memref<1x128xi32, #tpu.memory_space<vmem>>
        %dma_start3A_132 = tpu.memref_squeeze %dma_start3A_131 : memref<1x128xi32, #tpu.memory_space<vmem>> -> memref<128xi32, #tpu.memory_space<vmem>>
        %dma_start3A_133 = arith.constant 0 : i32
        %dma_start3A_134 = arith.constant 0 : i32
        %dma_start3A_135 = tpu.memref_slice %arg14[%dma_start3A_133, %dma_start3A_134] : memref<10240x64xf32, #tpu.memory_space<vmem_shared>> -> memref<10240x64xf32, #tpu.memory_space<vmem_shared>>
        tpu.enqueue_indirect_dma source(%arg13 : memref<128x64xf32, #tpu.memory_space<vmem>>) target(%dma_start3A_135 : memref<10240x64xf32, #tpu.memory_space<vmem_shared>>) offsets(%dma_start3A_132 : memref<128xi32, #tpu.memory_space<vmem>>) semaphore(%run_scoped3A : memref<!tpu.dma_semaphore, #tpu.memory_space<semaphore_mem>>) {add = true}
        %dma_wait3A_136 = arith.constant 0 : i32
        %dma_wait3A_137 = tpu.memref_slice %arg8[%add3A_83, %dma_wait3A_136] : memref<158x128xi32, #tpu.memory_space<vmem>> -> memref<1x128xi32, #tpu.memory_space<vmem>>
        %dma_wait3A_138 = tpu.memref_squeeze %dma_wait3A_137 : memref<1x128xi32, #tpu.memory_space<vmem>> -> memref<128xi32, #tpu.memory_space<vmem>>
        %dma_wait3A_139 = arith.constant 0 : i32
        %dma_wait3A_140 = arith.constant 0 : i32
        %dma_wait3A_141 = tpu.memref_slice %arg14[%dma_wait3A_139, %dma_wait3A_140] : memref<10240x64xf32, #tpu.memory_space<vmem_shared>> -> memref<10240x64xf32, #tpu.memory_space<vmem_shared>>
        tpu.wait_indirect_dma semaphore(%run_scoped3A : memref<!tpu.dma_semaphore, #tpu.memory_space<semaphore_mem>>) src(%arg13 : memref<128x64xf32, #tpu.memory_space<vmem>>) dst(%dma_wait3A_141 : memref<10240x64xf32, #tpu.memory_space<vmem_shared>>)
        tpu.yield
      }) : () -> ()
      %add3A_99 = arith.constant 2 : i32
      %add3A_100 = arith.addi %add3A_83, %add3A_99 : i32
      %lt3A = arith.constant 158 : i32
      %lt3A_101 = arith.cmpi slt, %add3A_100, %lt3A : i32
      %convert_element_type3A = arith.extui %lt3A_101 : i1 to i32
      %cond3A = arith.constant 0 : i32
      %cond3A_102 = arith.cmpi ne, %convert_element_type3A, %cond3A : i32
      scf.if %cond3A_102 {
        %add3A_130 = arith.constant 2 : i32
        %add3A_131 = arith.addi %add3A_83, %add3A_130 : i32
        %dma_start3A_132 = arith.constant 0 : i32
        %dma_start3A_133 = tpu.memref_slice %arg7[%add3A_131, %dma_start3A_132] : memref<158x128xi32, #tpu.memory_space<vmem>> -> memref<1x128xi32, #tpu.memory_space<vmem>>
        %dma_start3A_134 = tpu.memref_squeeze %dma_start3A_133 : memref<1x128xi32, #tpu.memory_space<vmem>> -> memref<128xi32, #tpu.memory_space<vmem>>
        %dma_start3A_135 = arith.constant 0 : i32
        %dma_start3A_136 = arith.constant 0 : i32
        %dma_start3A_137 = tpu.memref_slice %arg2[%dma_start3A_135, %dma_start3A_136] : memref<20480x32xi32, #tpu.memory_space<hbm>> -> memref<20480x32xi32, #tpu.memory_space<hbm>>
        tpu.enqueue_indirect_dma source(%dma_start3A_137 : memref<20480x32xi32, #tpu.memory_space<hbm>>) target(%arg11 : memref<128x32xi32, #tpu.memory_space<vmem>>) offsets(%dma_start3A_134 : memref<128xi32, #tpu.memory_space<vmem>>) semaphore(%arg15 : memref<!tpu.dma_semaphore, #tpu.memory_space<semaphore_mem>>)
        %mul3A_138 = arith.constant 158 : i32
        %mul3A_139 = arith.muli %arg1, %mul3A_138 : i32
        %add3A_140 = arith.addi %mul3A_139, %add3A_131 : i32
        %dma_start3A_141 = arith.constant 0 : i32
        %dma_start3A_142 = tpu.memref_slice %arg5[%add3A_140, %dma_start3A_141] : memref<2528x2048xf32, #tpu.memory_space<hbm>> -> memref<1x2048xf32, #tpu.memory_space<hbm>>
        %dma_start3A_143 = tpu.memref_squeeze %dma_start3A_142 : memref<1x2048xf32, #tpu.memory_space<hbm>> -> memref<2048xf32, #tpu.memory_space<hbm>>
        %dma_start3A_144 = arith.constant 0 : i32
        %dma_start3A_145 = tpu.memref_slice %arg5[%add3A_140, %dma_start3A_144] : memref<2528x2048xf32, #tpu.memory_space<hbm>> -> memref<1x2048xf32, #tpu.memory_space<hbm>>
        %dma_start3A_146 = tpu.memref_squeeze %dma_start3A_145 : memref<1x2048xf32, #tpu.memory_space<hbm>> -> memref<2048xf32, #tpu.memory_space<hbm>>
        tpu.enqueue_dma source(%dma_start3A_146 : memref<2048xf32, #tpu.memory_space<hbm>>) target(%arg9 : memref<2048xf32, #tpu.memory_space<vmem>>) target_semaphore(%arg15 : memref<!tpu.dma_semaphore, #tpu.memory_space<semaphore_mem>>)
      } else {
      }
      %mul3A_103 = arith.constant 2 : i32
      %mul3A_104 = arith.muli %mul3A_103, %scan3A_79 : i32
      %add3A_105 = arith.constant 1 : i32
      %add3A_106 = arith.addi %mul3A_104, %add3A_105 : i32
      %dma_wait3A_107 = arith.constant 0 : i32
      %dma_wait3A_108 = arith.constant 0 : i32
      %dma_wait3A_109 = tpu.memref_slice %arg2[%dma_wait3A_107, %dma_wait3A_108] : memref<20480x32xi32, #tpu.memory_space<hbm>> -> memref<128x32xi32, #tpu.memory_space<hbm>>
      %dma_wait3A_110 = arith.constant 0 : i32
      %dma_wait3A_111 = arith.constant 0 : i32
      %dma_wait3A_112 = tpu.memref_slice %arg2[%dma_wait3A_110, %dma_wait3A_111] : memref<20480x32xi32, #tpu.memory_space<hbm>> -> memref<128x32xi32, #tpu.memory_space<hbm>>
      tpu.wait_dma2 semaphore(%arg16 : memref<!tpu.dma_semaphore, #tpu.memory_space<semaphore_mem>>) src(%dma_wait3A_112 : memref<128x32xi32, #tpu.memory_space<hbm>>) dst(%arg12 : memref<128x32xi32, #tpu.memory_space<vmem>>)
      %dma_wait3A_113 = arith.constant 0 : i32
      %dma_wait3A_114 = arith.constant 0 : i32
      %dma_wait3A_115 = tpu.memref_slice %arg5[%dma_wait3A_113, %dma_wait3A_114] : memref<2528x2048xf32, #tpu.memory_space<hbm>> -> memref<1x2048xf32, #tpu.memory_space<hbm>>
      %dma_wait3A_116 = tpu.memref_squeeze %dma_wait3A_115 : memref<1x2048xf32, #tpu.memory_space<hbm>> -> memref<2048xf32, #tpu.memory_space<hbm>>
      %dma_wait3A_117 = arith.constant 0 : i32
      %dma_wait3A_118 = tpu.memref_slice %arg5[%dma_wait3A_113, %dma_wait3A_117] : memref<2528x2048xf32, #tpu.memory_space<hbm>> -> memref<1x2048xf32, #tpu.memory_space<hbm>>
      %dma_wait3A_119 = tpu.memref_squeeze %dma_wait3A_118 : memref<1x2048xf32, #tpu.memory_space<hbm>> -> memref<2048xf32, #tpu.memory_space<hbm>>
      tpu.wait_dma2 semaphore(%arg16 : memref<!tpu.dma_semaphore, #tpu.memory_space<semaphore_mem>>) src(%dma_wait3A_119 : memref<2048xf32, #tpu.memory_space<hbm>>) dst(%arg10 : memref<2048xf32, #tpu.memory_space<vmem>>)
      %parallel_loop3A_120 = arith.constant 0 : i32
      %parallel_loop3A_121 = arith.constant 128 : i32
      %parallel_loop3A_122 = arith.constant 1 : i32
      scf.for %parallel_loop3A_130 = %parallel_loop3A_120 to %parallel_loop3A_121 step %parallel_loop3A_122  : i32 {
        %parallel_loop3A_131 = arith.constant 16 : i32
        %parallel_loop3A_132 = arith.muli %parallel_loop3A_131, %parallel_loop3A_130 : i32
        %parallel_loop3A_133 = arith.index_cast %parallel_loop3A_132 : i32 to index
        %parallel_loop3A_134 = tpu.vector_load %arg10[%parallel_loop3A_133] {strides = array<i32>} : memref<2048xf32, #tpu.memory_space<vmem>>, vector<16xf32>,
        %parallel_loop3A_135 = vector.shape_cast %parallel_loop3A_134 : vector<16xf32> to vector<16xf32>
        %parallel_loop3A_136 = arith.index_cast %parallel_loop3A_130 : i32 to index
        %parallel_loop3A_137 = arith.constant 0 : index
        %parallel_loop3A_138 = tpu.vector_load %arg12[%parallel_loop3A_136, %parallel_loop3A_137] {strides = array<i32>} : memref<128x32xi32, #tpu.memory_space<vmem>>, vector<1x16xi32>,
        %parallel_loop3A_139 = vector.shape_cast %parallel_loop3A_138 : vector<1x16xi32> to vector<16xi32>
        %parallel_loop3A_140 = arith.constant 16 : i32
        %parallel_loop3A_141 = vector.broadcast %parallel_loop3A_140 : i32 to vector<16xi32>
        %parallel_loop3A_142 = arith.shli %parallel_loop3A_139, %parallel_loop3A_141 : vector<16xi32>
        %parallel_loop3A_143 = arith.constant 16 : i32
        %parallel_loop3A_144 = vector.broadcast %parallel_loop3A_143 : i32 to vector<16xi32>
        %parallel_loop3A_145 = arith.shrsi %parallel_loop3A_142, %parallel_loop3A_144 : vector<16xi32>
        %parallel_loop3A_146 = arith.constant 16 : i32
        %parallel_loop3A_147 = vector.broadcast %parallel_loop3A_146 : i32 to vector<16xi32>
        %parallel_loop3A_148 = arith.shrsi %parallel_loop3A_139, %parallel_loop3A_147 : vector<16xi32>
        %parallel_loop3A_149 = arith.sitofp %parallel_loop3A_145 : vector<16xi32> to vector<16xf32>
        %parallel_loop3A_150 = arith.sitofp %parallel_loop3A_148 : vector<16xi32> to vector<16xf32>
        %parallel_loop3A_151 = arith.mulf %parallel_loop3A_149, %parallel_loop3A_135 : vector<16xf32>
        %parallel_loop3A_152 = arith.index_cast %parallel_loop3A_130 : i32 to index
        %parallel_loop3A_153 = arith.constant 0 : index
        %parallel_loop3A_154 = tpu.vector_load %arg13[%parallel_loop3A_152, %parallel_loop3A_153] {strides = array<i32>} : memref<128x64xf32, #tpu.memory_space<vmem>>, vector<1x16xf32>,
        %parallel_loop3A_155 = vector.shape_cast %parallel_loop3A_154 : vector<1x16xf32> to vector<16xf32>
        %parallel_loop3A_156 = vector.shape_cast %parallel_loop3A_151 : vector<16xf32> to vector<1x16xf32>
        tpu.vector_store %arg13[%parallel_loop3A_152, %parallel_loop3A_153], %parallel_loop3A_156 {strides = array<i32>} : memref<128x64xf32, #tpu.memory_space<vmem>>, vector<1x16xf32>,
        %parallel_loop3A_157 = arith.mulf %parallel_loop3A_150, %parallel_loop3A_135 : vector<16xf32>
        %parallel_loop3A_158 = arith.index_cast %parallel_loop3A_130 : i32 to index
        %parallel_loop3A_159 = arith.constant 16 : index
        %parallel_loop3A_160 = tpu.vector_load %arg13[%parallel_loop3A_158, %parallel_loop3A_159] {strides = array<i32>} : memref<128x64xf32, #tpu.memory_space<vmem>>, vector<1x16xf32>,
        %parallel_loop3A_161 = vector.shape_cast %parallel_loop3A_160 : vector<1x16xf32> to vector<16xf32>
        %parallel_loop3A_162 = vector.shape_cast %parallel_loop3A_157 : vector<16xf32> to vector<1x16xf32>
        tpu.vector_store %arg13[%parallel_loop3A_158, %parallel_loop3A_159], %parallel_loop3A_162 {strides = array<i32>} : memref<128x64xf32, #tpu.memory_space<vmem>>, vector<1x16xf32>,
        %parallel_loop3A_163 = arith.index_cast %parallel_loop3A_130 : i32 to index
        %parallel_loop3A_164 = arith.constant 16 : index
        %parallel_loop3A_165 = tpu.vector_load %arg12[%parallel_loop3A_163, %parallel_loop3A_164] {strides = array<i32>} : memref<128x32xi32, #tpu.memory_space<vmem>>, vector<1x16xi32>,
        %parallel_loop3A_166 = vector.shape_cast %parallel_loop3A_165 : vector<1x16xi32> to vector<16xi32>
        %parallel_loop3A_167 = arith.constant 16 : i32
        %parallel_loop3A_168 = vector.broadcast %parallel_loop3A_167 : i32 to vector<16xi32>
        %parallel_loop3A_169 = arith.shli %parallel_loop3A_166, %parallel_loop3A_168 : vector<16xi32>
        %parallel_loop3A_170 = arith.constant 16 : i32
        %parallel_loop3A_171 = vector.broadcast %parallel_loop3A_170 : i32 to vector<16xi32>
        %parallel_loop3A_172 = arith.shrsi %parallel_loop3A_169, %parallel_loop3A_171 : vector<16xi32>
        %parallel_loop3A_173 = arith.constant 16 : i32
        %parallel_loop3A_174 = vector.broadcast %parallel_loop3A_173 : i32 to vector<16xi32>
        %parallel_loop3A_175 = arith.shrsi %parallel_loop3A_166, %parallel_loop3A_174 : vector<16xi32>
        %parallel_loop3A_176 = arith.sitofp %parallel_loop3A_172 : vector<16xi32> to vector<16xf32>
        %parallel_loop3A_177 = arith.sitofp %parallel_loop3A_175 : vector<16xi32> to vector<16xf32>
        %parallel_loop3A_178 = arith.mulf %parallel_loop3A_176, %parallel_loop3A_135 : vector<16xf32>
        %parallel_loop3A_179 = arith.index_cast %parallel_loop3A_130 : i32 to index
        %parallel_loop3A_180 = arith.constant 32 : index
        %parallel_loop3A_181 = tpu.vector_load %arg13[%parallel_loop3A_179, %parallel_loop3A_180] {strides = array<i32>} : memref<128x64xf32, #tpu.memory_space<vmem>>, vector<1x16xf32>,
        %parallel_loop3A_182 = vector.shape_cast %parallel_loop3A_181 : vector<1x16xf32> to vector<16xf32>
        %parallel_loop3A_183 = vector.shape_cast %parallel_loop3A_178 : vector<16xf32> to vector<1x16xf32>
        tpu.vector_store %arg13[%parallel_loop3A_179, %parallel_loop3A_180], %parallel_loop3A_183 {strides = array<i32>} : memref<128x64xf32, #tpu.memory_space<vmem>>, vector<1x16xf32>,
        %parallel_loop3A_184 = arith.mulf %parallel_loop3A_177, %parallel_loop3A_135 : vector<16xf32>
        %parallel_loop3A_185 = arith.index_cast %parallel_loop3A_130 : i32 to index
        %parallel_loop3A_186 = arith.constant 48 : index
        %parallel_loop3A_187 = tpu.vector_load %arg13[%parallel_loop3A_185, %parallel_loop3A_186] {strides = array<i32>} : memref<128x64xf32, #tpu.memory_space<vmem>>, vector<1x16xf32>,
        %parallel_loop3A_188 = vector.shape_cast %parallel_loop3A_187 : vector<1x16xf32> to vector<16xf32>
        %parallel_loop3A_189 = vector.shape_cast %parallel_loop3A_184 : vector<16xf32> to vector<1x16xf32>
        tpu.vector_store %arg13[%parallel_loop3A_185, %parallel_loop3A_186], %parallel_loop3A_189 {strides = array<i32>} : memref<128x64xf32, #tpu.memory_space<vmem>>, vector<1x16xf32>,
      } {sc.loop_unroll_factor = 8 : i64, sc.parallel_access}
      "tpu.region"() ({
        %run_scoped3A = tpu.sem_alloc : memref<!tpu.dma_semaphore, #tpu.memory_space<semaphore_mem>>
        %dma_start3A_130 = arith.constant 0 : i32
        %dma_start3A_131 = tpu.memref_slice %arg8[%add3A_106, %dma_start3A_130] : memref<158x128xi32, #tpu.memory_space<vmem>> -> memref<1x128xi32, #tpu.memory_space<vmem>>
        %dma_start3A_132 = tpu.memref_squeeze %dma_start3A_131 : memref<1x128xi32, #tpu.memory_space<vmem>> -> memref<128xi32, #tpu.memory_space<vmem>>
        %dma_start3A_133 = arith.constant 0 : i32
        %dma_start3A_134 = arith.constant 0 : i32
        %dma_start3A_135 = tpu.memref_slice %arg14[%dma_start3A_133, %dma_start3A_134] : memref<10240x64xf32, #tpu.memory_space<vmem_shared>> -> memref<10240x64xf32, #tpu.memory_space<vmem_shared>>
        tpu.enqueue_indirect_dma source(%arg13 : memref<128x64xf32, #tpu.memory_space<vmem>>) target(%dma_start3A_135 : memref<10240x64xf32, #tpu.memory_space<vmem_shared>>) offsets(%dma_start3A_132 : memref<128xi32, #tpu.memory_space<vmem>>) semaphore(%run_scoped3A : memref<!tpu.dma_semaphore, #tpu.memory_space<semaphore_mem>>) {add = true}
        %dma_wait3A_136 = arith.constant 0 : i32
        %dma_wait3A_137 = tpu.memref_slice %arg8[%add3A_106, %dma_wait3A_136] : memref<158x128xi32, #tpu.memory_space<vmem>> -> memref<1x128xi32, #tpu.memory_space<vmem>>
        %dma_wait3A_138 = tpu.memref_squeeze %dma_wait3A_137 : memref<1x128xi32, #tpu.memory_space<vmem>> -> memref<128xi32, #tpu.memory_space<vmem>>
        %dma_wait3A_139 = arith.constant 0 : i32
        %dma_wait3A_140 = arith.constant 0 : i32
        %dma_wait3A_141 = tpu.memref_slice %arg14[%dma_wait3A_139, %dma_wait3A_140] : memref<10240x64xf32, #tpu.memory_space<vmem_shared>> -> memref<10240x64xf32, #tpu.memory_space<vmem_shared>>
        tpu.wait_indirect_dma semaphore(%run_scoped3A : memref<!tpu.dma_semaphore, #tpu.memory_space<semaphore_mem>>) src(%arg13 : memref<128x64xf32, #tpu.memory_space<vmem>>) dst(%dma_wait3A_141 : memref<10240x64xf32, #tpu.memory_space<vmem_shared>>)
        tpu.yield
      }) : () -> ()
      %add3A_123 = arith.constant 2 : i32
      %add3A_124 = arith.addi %add3A_106, %add3A_123 : i32
      %lt3A_125 = arith.constant 158 : i32
      %lt3A_126 = arith.cmpi slt, %add3A_124, %lt3A_125 : i32
      %convert_element_type3A_127 = arith.extui %lt3A_126 : i1 to i32
      %cond3A_128 = arith.constant 0 : i32
      %cond3A_129 = arith.cmpi ne, %convert_element_type3A_127, %cond3A_128 : i32
      scf.if %cond3A_129 {
        %add3A_130 = arith.constant 2 : i32
        %add3A_131 = arith.addi %add3A_106, %add3A_130 : i32
        %dma_start3A_132 = arith.constant 0 : i32
        %dma_start3A_133 = tpu.memref_slice %arg7[%add3A_131, %dma_start3A_132] : memref<158x128xi32, #tpu.memory_space<vmem>> -> memref<1x128xi32, #tpu.memory_space<vmem>>
        %dma_start3A_134 = tpu.memref_squeeze %dma_start3A_133 : memref<1x128xi32, #tpu.memory_space<vmem>> -> memref<128xi32, #tpu.memory_space<vmem>>
        %dma_start3A_135 = arith.constant 0 : i32
        %dma_start3A_136 = arith.constant 0 : i32
        %dma_start3A_137 = tpu.memref_slice %arg2[%dma_start3A_135, %dma_start3A_136] : memref<20480x32xi32, #tpu.memory_space<hbm>> -> memref<20480x32xi32, #tpu.memory_space<hbm>>
        tpu.enqueue_indirect_dma source(%dma_start3A_137 : memref<20480x32xi32, #tpu.memory_space<hbm>>) target(%arg12 : memref<128x32xi32, #tpu.memory_space<vmem>>) offsets(%dma_start3A_134 : memref<128xi32, #tpu.memory_space<vmem>>) semaphore(%arg16 : memref<!tpu.dma_semaphore, #tpu.memory_space<semaphore_mem>>)
        %mul3A_138 = arith.constant 158 : i32
        %mul3A_139 = arith.muli %arg1, %mul3A_138 : i32
        %add3A_140 = arith.addi %mul3A_139, %add3A_131 : i32
        %dma_start3A_141 = arith.constant 0 : i32
        %dma_start3A_142 = tpu.memref_slice %arg5[%add3A_140, %dma_start3A_141] : memref<2528x2048xf32, #tpu.memory_space<hbm>> -> memref<1x2048xf32, #tpu.memory_space<hbm>>
        %dma_start3A_143 = tpu.memref_squeeze %dma_start3A_142 : memref<1x2048xf32, #tpu.memory_space<hbm>> -> memref<2048xf32, #tpu.memory_space<hbm>>
        %dma_start3A_144 = arith.constant 0 : i32
        %dma_start3A_145 = tpu.memref_slice %arg5[%add3A_140, %dma_start3A_144] : memref<2528x2048xf32, #tpu.memory_space<hbm>> -> memref<1x2048xf32, #tpu.memory_space<hbm>>
        %dma_start3A_146 = tpu.memref_squeeze %dma_start3A_145 : memref<1x2048xf32, #tpu.memory_space<hbm>> -> memref<2048xf32, #tpu.memory_space<hbm>>
        tpu.enqueue_dma source(%dma_start3A_146 : memref<2048xf32, #tpu.memory_space<hbm>>) target(%arg10 : memref<2048xf32, #tpu.memory_space<vmem>>) target_semaphore(%arg16 : memref<!tpu.dma_semaphore, #tpu.memory_space<semaphore_mem>>)
      } else {
      }
    }
    %scan3A_57 = arith.constant 79 : i32
    %barrier3A_58 = arith.constant 0 : index
    tpu.barrier barrier_id(%barrier3A_58)
    %mul3A_59 = arith.constant 640 : i32
    %mul3A_60 = arith.muli %arg1, %mul3A_59 : i32
    %add3A_61 = arith.constant 0 : i32
    %add3A_62 = arith.addi %mul3A_60, %add3A_61 : i32
    "tpu.region"() ({
      %run_scoped3A = tpu.sem_alloc : memref<!tpu.dma_semaphore, #tpu.memory_space<semaphore_mem>>
      %dma_start3A_79 = arith.constant 0 : i32
      %dma_start3A_80 = arith.constant 0 : i32
      %dma_start3A_81 = tpu.memref_slice %arg13[%dma_start3A_79, %dma_start3A_80] : memref<128x64xf32, #tpu.memory_space<vmem>> -> memref<128x64xf32, #tpu.memory_space<vmem>>
      %dma_start3A_82 = arith.constant 0 : i32
      %dma_start3A_83 = tpu.memref_slice %arg14[%add3A_62, %dma_start3A_82] : memref<10240x64xf32, #tpu.memory_space<vmem_shared>> -> memref<128x64xf32, #tpu.memory_space<vmem_shared>>
      %dma_start3A_84 = arith.constant 0 : i32
      %dma_start3A_85 = arith.constant 0 : i32
      %dma_start3A_86 = tpu.memref_slice %arg13[%dma_start3A_84, %dma_start3A_85] : memref<128x64xf32, #tpu.memory_space<vmem>> -> memref<128x64xf32, #tpu.memory_space<vmem>>
      %dma_start3A_87 = arith.constant 0 : i32
      %dma_start3A_88 = tpu.memref_slice %arg14[%add3A_62, %dma_start3A_87] : memref<10240x64xf32, #tpu.memory_space<vmem_shared>> -> memref<128x64xf32, #tpu.memory_space<vmem_shared>>
      tpu.enqueue_dma source(%dma_start3A_88 : memref<128x64xf32, #tpu.memory_space<vmem_shared>>) target(%dma_start3A_86 : memref<128x64xf32, #tpu.memory_space<vmem>>) target_semaphore(%run_scoped3A : memref<!tpu.dma_semaphore, #tpu.memory_space<semaphore_mem>>)
      %dma_wait3A = arith.constant 0 : i32
      %dma_wait3A_89 = arith.constant 0 : i32
      %dma_wait3A_90 = tpu.memref_slice %arg13[%dma_wait3A, %dma_wait3A_89] : memref<128x64xf32, #tpu.memory_space<vmem>> -> memref<128x64xf32, #tpu.memory_space<vmem>>
      %dma_wait3A_91 = arith.constant 0 : i32
      %dma_wait3A_92 = tpu.memref_slice %arg14[%add3A_62, %dma_wait3A_91] : memref<10240x64xf32, #tpu.memory_space<vmem_shared>> -> memref<128x64xf32, #tpu.memory_space<vmem_shared>>
      %dma_wait3A_93 = arith.constant 0 : i32
      %dma_wait3A_94 = arith.constant 0 : i32
      %dma_wait3A_95 = tpu.memref_slice %arg13[%dma_wait3A_93, %dma_wait3A_94] : memref<128x64xf32, #tpu.memory_space<vmem>> -> memref<128x64xf32, #tpu.memory_space<vmem>>
      %dma_wait3A_96 = arith.constant 0 : i32
      %dma_wait3A_97 = tpu.memref_slice %arg14[%add3A_62, %dma_wait3A_96] : memref<10240x64xf32, #tpu.memory_space<vmem_shared>> -> memref<128x64xf32, #tpu.memory_space<vmem_shared>>
      tpu.wait_dma2 semaphore(%run_scoped3A : memref<!tpu.dma_semaphore, #tpu.memory_space<semaphore_mem>>) src(%dma_wait3A_97 : memref<128x64xf32, #tpu.memory_space<vmem_shared>>) dst(%dma_wait3A_95 : memref<128x64xf32, #tpu.memory_space<vmem>>)
      tpu.yield
    }) : () -> ()
    "tpu.region"() ({
      %run_scoped3A = tpu.sem_alloc : memref<!tpu.dma_semaphore, #tpu.memory_space<semaphore_mem>>
      %dma_start3A_79 = arith.constant 0 : i32
      %dma_start3A_80 = arith.constant 0 : i32
      %dma_start3A_81 = tpu.memref_slice %arg13[%dma_start3A_79, %dma_start3A_80] : memref<128x64xf32, #tpu.memory_space<vmem>> -> memref<128x64xf32, #tpu.memory_space<vmem>>
      %dma_start3A_82 = arith.constant 0 : i32
      %dma_start3A_83 = tpu.memref_slice %arg6[%arg0, %add3A_62, %dma_start3A_82] : memref<2x10240x64xf32, #tpu.memory_space<hbm>> -> memref<1x128x64xf32, #tpu.memory_space<hbm>>
      %dma_start3A_84 = tpu.memref_squeeze %dma_start3A_83 : memref<1x128x64xf32, #tpu.memory_space<hbm>> -> memref<128x64xf32, #tpu.memory_space<hbm>>
      %dma_start3A_85 = arith.constant 0 : i32
      %dma_start3A_86 = tpu.memref_slice %arg6[%arg0, %add3A_62, %dma_start3A_85] : memref<2x10240x64xf32, #tpu.memory_space<hbm>> -> memref<1x128x64xf32, #tpu.memory_space<hbm>>
      %dma_start3A_87 = tpu.memref_squeeze %dma_start3A_86 : memref<1x128x64xf32, #tpu.memory_space<hbm>> -> memref<128x64xf32, #tpu.memory_space<hbm>>
      %dma_start3A_88 = arith.constant 0 : i32
      %dma_start3A_89 = arith.constant 0 : i32
      %dma_start3A_90 = tpu.memref_slice %arg13[%dma_start3A_88, %dma_start3A_89] : memref<128x64xf32, #tpu.memory_space<vmem>> -> memref<128x64xf32, #tpu.memory_space<vmem>>
      tpu.enqueue_dma source(%dma_start3A_90 : memref<128x64xf32, #tpu.memory_space<vmem>>) target(%dma_start3A_87 : memref<128x64xf32, #tpu.memory_space<hbm>>) target_semaphore(%run_scoped3A : memref<!tpu.dma_semaphore, #tpu.memory_space<semaphore_mem>>)
      %dma_wait3A = arith.constant 0 : i32
      %dma_wait3A_91 = arith.constant 0 : i32
      %dma_wait3A_92 = tpu.memref_slice %arg13[%dma_wait3A, %dma_wait3A_91] : memref<128x64xf32, #tpu.memory_space<vmem>> -> memref<128x64xf32, #tpu.memory_space<vmem>>
      %dma_wait3A_93 = arith.constant 0 : i32
      %dma_wait3A_94 = tpu.memref_slice %arg6[%arg0, %add3A_62, %dma_wait3A_93] : memref<2x10240x64xf32, #tpu.memory_space<hbm>> -> memref<1x128x64xf32, #tpu.memory_space<hbm>>
      %dma_wait3A_95 = tpu.memref_squeeze %dma_wait3A_94 : memref<1x128x64xf32, #tpu.memory_space<hbm>> -> memref<128x64xf32, #tpu.memory_space<hbm>>
      %dma_wait3A_96 = arith.constant 0 : i32
      %dma_wait3A_97 = tpu.memref_slice %arg6[%arg0, %add3A_62, %dma_wait3A_96] : memref<2x10240x64xf32, #tpu.memory_space<hbm>> -> memref<1x128x64xf32, #tpu.memory_space<hbm>>
      %dma_wait3A_98 = tpu.memref_squeeze %dma_wait3A_97 : memref<1x128x64xf32, #tpu.memory_space<hbm>> -> memref<128x64xf32, #tpu.memory_space<hbm>>
      %dma_wait3A_99 = arith.constant 0 : i32
      %dma_wait3A_100 = arith.constant 0 : i32
      %dma_wait3A_101 = tpu.memref_slice %arg13[%dma_wait3A_99, %dma_wait3A_100] : memref<128x64xf32, #tpu.memory_space<vmem>> -> memref<128x64xf32, #tpu.memory_space<vmem>>
      tpu.wait_dma2 semaphore(%run_scoped3A : memref<!tpu.dma_semaphore, #tpu.memory_space<semaphore_mem>>) src(%dma_wait3A_101 : memref<128x64xf32, #tpu.memory_space<vmem>>) dst(%dma_wait3A_98 : memref<128x64xf32, #tpu.memory_space<hbm>>)
      tpu.yield
    }) : () -> ()
    %mul3A_63 = arith.constant 640 : i32
    %mul3A_64 = arith.muli %arg1, %mul3A_63 : i32
    %add3A_65 = arith.constant 128 : i32
    %add3A_66 = arith.addi %mul3A_64, %add3A_65 : i32
    "tpu.region"() ({
      %run_scoped3A = tpu.sem_alloc : memref<!tpu.dma_semaphore, #tpu.memory_space<semaphore_mem>>
      %dma_start3A_79 = arith.constant 0 : i32
      %dma_start3A_80 = arith.constant 0 : i32
      %dma_start3A_81 = tpu.memref_slice %arg13[%dma_start3A_79, %dma_start3A_80] : memref<128x64xf32, #tpu.memory_space<vmem>> -> memref<128x64xf32, #tpu.memory_space<vmem>>
      %dma_start3A_82 = arith.constant 0 : i32
      %dma_start3A_83 = tpu.memref_slice %arg14[%add3A_66, %dma_start3A_82] : memref<10240x64xf32, #tpu.memory_space<vmem_shared>> -> memref<128x64xf32, #tpu.memory_space<vmem_shared>>
      %dma_start3A_84 = arith.constant 0 : i32
      %dma_start3A_85 = arith.constant 0 : i32
      %dma_start3A_86 = tpu.memref_slice %arg13[%dma_start3A_84, %dma_start3A_85] : memref<128x64xf32, #tpu.memory_space<vmem>> -> memref<128x64xf32, #tpu.memory_space<vmem>>
      %dma_start3A_87 = arith.constant 0 : i32
      %dma_start3A_88 = tpu.memref_slice %arg14[%add3A_66, %dma_start3A_87] : memref<10240x64xf32, #tpu.memory_space<vmem_shared>> -> memref<128x64xf32, #tpu.memory_space<vmem_shared>>
      tpu.enqueue_dma source(%dma_start3A_88 : memref<128x64xf32, #tpu.memory_space<vmem_shared>>) target(%dma_start3A_86 : memref<128x64xf32, #tpu.memory_space<vmem>>) target_semaphore(%run_scoped3A : memref<!tpu.dma_semaphore, #tpu.memory_space<semaphore_mem>>)
      %dma_wait3A = arith.constant 0 : i32
      %dma_wait3A_89 = arith.constant 0 : i32
      %dma_wait3A_90 = tpu.memref_slice %arg13[%dma_wait3A, %dma_wait3A_89] : memref<128x64xf32, #tpu.memory_space<vmem>> -> memref<128x64xf32, #tpu.memory_space<vmem>>
      %dma_wait3A_91 = arith.constant 0 : i32
      %dma_wait3A_92 = tpu.memref_slice %arg14[%add3A_66, %dma_wait3A_91] : memref<10240x64xf32, #tpu.memory_space<vmem_shared>> -> memref<128x64xf32, #tpu.memory_space<vmem_shared>>
      %dma_wait3A_93 = arith.constant 0 : i32
      %dma_wait3A_94 = arith.constant 0 : i32
      %dma_wait3A_95 = tpu.memref_slice %arg13[%dma_wait3A_93, %dma_wait3A_94] : memref<128x64xf32, #tpu.memory_space<vmem>> -> memref<128x64xf32, #tpu.memory_space<vmem>>
      %dma_wait3A_96 = arith.constant 0 : i32
      %dma_wait3A_97 = tpu.memref_slice %arg14[%add3A_66, %dma_wait3A_96] : memref<10240x64xf32, #tpu.memory_space<vmem_shared>> -> memref<128x64xf32, #tpu.memory_space<vmem_shared>>
      tpu.wait_dma2 semaphore(%run_scoped3A : memref<!tpu.dma_semaphore, #tpu.memory_space<semaphore_mem>>) src(%dma_wait3A_97 : memref<128x64xf32, #tpu.memory_space<vmem_shared>>) dst(%dma_wait3A_95 : memref<128x64xf32, #tpu.memory_space<vmem>>)
      tpu.yield
    }) : () -> ()
    "tpu.region"() ({
      %run_scoped3A = tpu.sem_alloc : memref<!tpu.dma_semaphore, #tpu.memory_space<semaphore_mem>>
      %dma_start3A_79 = arith.constant 0 : i32
      %dma_start3A_80 = arith.constant 0 : i32
      %dma_start3A_81 = tpu.memref_slice %arg13[%dma_start3A_79, %dma_start3A_80] : memref<128x64xf32, #tpu.memory_space<vmem>> -> memref<128x64xf32, #tpu.memory_space<vmem>>
      %dma_start3A_82 = arith.constant 0 : i32
      %dma_start3A_83 = tpu.memref_slice %arg6[%arg0, %add3A_66, %dma_start3A_82] : memref<2x10240x64xf32, #tpu.memory_space<hbm>> -> memref<1x128x64xf32, #tpu.memory_space<hbm>>
      %dma_start3A_84 = tpu.memref_squeeze %dma_start3A_83 : memref<1x128x64xf32, #tpu.memory_space<hbm>> -> memref<128x64xf32, #tpu.memory_space<hbm>>
      %dma_start3A_85 = arith.constant 0 : i32
      %dma_start3A_86 = tpu.memref_slice %arg6[%arg0, %add3A_66, %dma_start3A_85] : memref<2x10240x64xf32, #tpu.memory_space<hbm>> -> memref<1x128x64xf32, #tpu.memory_space<hbm>>
      %dma_start3A_87 = tpu.memref_squeeze %dma_start3A_86 : memref<1x128x64xf32, #tpu.memory_space<hbm>> -> memref<128x64xf32, #tpu.memory_space<hbm>>
      %dma_start3A_88 = arith.constant 0 : i32
      %dma_start3A_89 = arith.constant 0 : i32
      %dma_start3A_90 = tpu.memref_slice %arg13[%dma_start3A_88, %dma_start3A_89] : memref<128x64xf32, #tpu.memory_space<vmem>> -> memref<128x64xf32, #tpu.memory_space<vmem>>
      tpu.enqueue_dma source(%dma_start3A_90 : memref<128x64xf32, #tpu.memory_space<vmem>>) target(%dma_start3A_87 : memref<128x64xf32, #tpu.memory_space<hbm>>) target_semaphore(%run_scoped3A : memref<!tpu.dma_semaphore, #tpu.memory_space<semaphore_mem>>)
      %dma_wait3A = arith.constant 0 : i32
      %dma_wait3A_91 = arith.constant 0 : i32
      %dma_wait3A_92 = tpu.memref_slice %arg13[%dma_wait3A, %dma_wait3A_91] : memref<128x64xf32, #tpu.memory_space<vmem>> -> memref<128x64xf32, #tpu.memory_space<vmem>>
      %dma_wait3A_93 = arith.constant 0 : i32
      %dma_wait3A_94 = tpu.memref_slice %arg6[%arg0, %add3A_66, %dma_wait3A_93] : memref<2x10240x64xf32, #tpu.memory_space<hbm>> -> memref<1x128x64xf32, #tpu.memory_space<hbm>>
      %dma_wait3A_95 = tpu.memref_squeeze %dma_wait3A_94 : memref<1x128x64xf32, #tpu.memory_space<hbm>> -> memref<128x64xf32, #tpu.memory_space<hbm>>
      %dma_wait3A_96 = arith.constant 0 : i32
      %dma_wait3A_97 = tpu.memref_slice %arg6[%arg0, %add3A_66, %dma_wait3A_96] : memref<2x10240x64xf32, #tpu.memory_space<hbm>> -> memref<1x128x64xf32, #tpu.memory_space<hbm>>
      %dma_wait3A_98 = tpu.memref_squeeze %dma_wait3A_97 : memref<1x128x64xf32, #tpu.memory_space<hbm>> -> memref<128x64xf32, #tpu.memory_space<hbm>>
      %dma_wait3A_99 = arith.constant 0 : i32
      %dma_wait3A_100 = arith.constant 0 : i32
      %dma_wait3A_101 = tpu.memref_slice %arg13[%dma_wait3A_99, %dma_wait3A_100] : memref<128x64xf32, #tpu.memory_space<vmem>> -> memref<128x64xf32, #tpu.memory_space<vmem>>
      tpu.wait_dma2 semaphore(%run_scoped3A : memref<!tpu.dma_semaphore, #tpu.memory_space<semaphore_mem>>) src(%dma_wait3A_101 : memref<128x64xf32, #tpu.memory_space<vmem>>) dst(%dma_wait3A_98 : memref<128x64xf32, #tpu.memory_space<hbm>>)
      tpu.yield
    }) : () -> ()
    %mul3A_67 = arith.constant 640 : i32
    %mul3A_68 = arith.muli %arg1, %mul3A_67 : i32
    %add3A_69 = arith.constant 256 : i32
    %add3A_70 = arith.addi %mul3A_68, %add3A_69 : i32
    "tpu.region"() ({
      %run_scoped3A = tpu.sem_alloc : memref<!tpu.dma_semaphore, #tpu.memory_space<semaphore_mem>>
      %dma_start3A_79 = arith.constant 0 : i32
      %dma_start3A_80 = arith.constant 0 : i32
      %dma_start3A_81 = tpu.memref_slice %arg13[%dma_start3A_79, %dma_start3A_80] : memref<128x64xf32, #tpu.memory_space<vmem>> -> memref<128x64xf32, #tpu.memory_space<vmem>>
      %dma_start3A_82 = arith.constant 0 : i32
      %dma_start3A_83 = tpu.memref_slice %arg14[%add3A_70, %dma_start3A_82] : memref<10240x64xf32, #tpu.memory_space<vmem_shared>> -> memref<128x64xf32, #tpu.memory_space<vmem_shared>>
      %dma_start3A_84 = arith.constant 0 : i32
      %dma_start3A_85 = arith.constant 0 : i32
      %dma_start3A_86 = tpu.memref_slice %arg13[%dma_start3A_84, %dma_start3A_85] : memref<128x64xf32, #tpu.memory_space<vmem>> -> memref<128x64xf32, #tpu.memory_space<vmem>>
      %dma_start3A_87 = arith.constant 0 : i32
      %dma_start3A_88 = tpu.memref_slice %arg14[%add3A_70, %dma_start3A_87] : memref<10240x64xf32, #tpu.memory_space<vmem_shared>> -> memref<128x64xf32, #tpu.memory_space<vmem_shared>>
      tpu.enqueue_dma source(%dma_start3A_88 : memref<128x64xf32, #tpu.memory_space<vmem_shared>>) target(%dma_start3A_86 : memref<128x64xf32, #tpu.memory_space<vmem>>) target_semaphore(%run_scoped3A : memref<!tpu.dma_semaphore, #tpu.memory_space<semaphore_mem>>)
      %dma_wait3A = arith.constant 0 : i32
      %dma_wait3A_89 = arith.constant 0 : i32
      %dma_wait3A_90 = tpu.memref_slice %arg13[%dma_wait3A, %dma_wait3A_89] : memref<128x64xf32, #tpu.memory_space<vmem>> -> memref<128x64xf32, #tpu.memory_space<vmem>>
      %dma_wait3A_91 = arith.constant 0 : i32
      %dma_wait3A_92 = tpu.memref_slice %arg14[%add3A_70, %dma_wait3A_91] : memref<10240x64xf32, #tpu.memory_space<vmem_shared>> -> memref<128x64xf32, #tpu.memory_space<vmem_shared>>
      %dma_wait3A_93 = arith.constant 0 : i32
      %dma_wait3A_94 = arith.constant 0 : i32
      %dma_wait3A_95 = tpu.memref_slice %arg13[%dma_wait3A_93, %dma_wait3A_94] : memref<128x64xf32, #tpu.memory_space<vmem>> -> memref<128x64xf32, #tpu.memory_space<vmem>>
      %dma_wait3A_96 = arith.constant 0 : i32
      %dma_wait3A_97 = tpu.memref_slice %arg14[%add3A_70, %dma_wait3A_96] : memref<10240x64xf32, #tpu.memory_space<vmem_shared>> -> memref<128x64xf32, #tpu.memory_space<vmem_shared>>
      tpu.wait_dma2 semaphore(%run_scoped3A : memref<!tpu.dma_semaphore, #tpu.memory_space<semaphore_mem>>) src(%dma_wait3A_97 : memref<128x64xf32, #tpu.memory_space<vmem_shared>>) dst(%dma_wait3A_95 : memref<128x64xf32, #tpu.memory_space<vmem>>)
      tpu.yield
    }) : () -> ()
    "tpu.region"() ({
      %run_scoped3A = tpu.sem_alloc : memref<!tpu.dma_semaphore, #tpu.memory_space<semaphore_mem>>
      %dma_start3A_79 = arith.constant 0 : i32
      %dma_start3A_80 = arith.constant 0 : i32
      %dma_start3A_81 = tpu.memref_slice %arg13[%dma_start3A_79, %dma_start3A_80] : memref<128x64xf32, #tpu.memory_space<vmem>> -> memref<128x64xf32, #tpu.memory_space<vmem>>
      %dma_start3A_82 = arith.constant 0 : i32
      %dma_start3A_83 = tpu.memref_slice %arg6[%arg0, %add3A_70, %dma_start3A_82] : memref<2x10240x64xf32, #tpu.memory_space<hbm>> -> memref<1x128x64xf32, #tpu.memory_space<hbm>>
      %dma_start3A_84 = tpu.memref_squeeze %dma_start3A_83 : memref<1x128x64xf32, #tpu.memory_space<hbm>> -> memref<128x64xf32, #tpu.memory_space<hbm>>
      %dma_start3A_85 = arith.constant 0 : i32
      %dma_start3A_86 = tpu.memref_slice %arg6[%arg0, %add3A_70, %dma_start3A_85] : memref<2x10240x64xf32, #tpu.memory_space<hbm>> -> memref<1x128x64xf32, #tpu.memory_space<hbm>>
      %dma_start3A_87 = tpu.memref_squeeze %dma_start3A_86 : memref<1x128x64xf32, #tpu.memory_space<hbm>> -> memref<128x64xf32, #tpu.memory_space<hbm>>
      %dma_start3A_88 = arith.constant 0 : i32
      %dma_start3A_89 = arith.constant 0 : i32
      %dma_start3A_90 = tpu.memref_slice %arg13[%dma_start3A_88, %dma_start3A_89] : memref<128x64xf32, #tpu.memory_space<vmem>> -> memref<128x64xf32, #tpu.memory_space<vmem>>
      tpu.enqueue_dma source(%dma_start3A_90 : memref<128x64xf32, #tpu.memory_space<vmem>>) target(%dma_start3A_87 : memref<128x64xf32, #tpu.memory_space<hbm>>) target_semaphore(%run_scoped3A : memref<!tpu.dma_semaphore, #tpu.memory_space<semaphore_mem>>)
      %dma_wait3A = arith.constant 0 : i32
      %dma_wait3A_91 = arith.constant 0 : i32
      %dma_wait3A_92 = tpu.memref_slice %arg13[%dma_wait3A, %dma_wait3A_91] : memref<128x64xf32, #tpu.memory_space<vmem>> -> memref<128x64xf32, #tpu.memory_space<vmem>>
      %dma_wait3A_93 = arith.constant 0 : i32
      %dma_wait3A_94 = tpu.memref_slice %arg6[%arg0, %add3A_70, %dma_wait3A_93] : memref<2x10240x64xf32, #tpu.memory_space<hbm>> -> memref<1x128x64xf32, #tpu.memory_space<hbm>>
      %dma_wait3A_95 = tpu.memref_squeeze %dma_wait3A_94 : memref<1x128x64xf32, #tpu.memory_space<hbm>> -> memref<128x64xf32, #tpu.memory_space<hbm>>
      %dma_wait3A_96 = arith.constant 0 : i32
      %dma_wait3A_97 = tpu.memref_slice %arg6[%arg0, %add3A_70, %dma_wait3A_96] : memref<2x10240x64xf32, #tpu.memory_space<hbm>> -> memref<1x128x64xf32, #tpu.memory_space<hbm>>
      %dma_wait3A_98 = tpu.memref_squeeze %dma_wait3A_97 : memref<1x128x64xf32, #tpu.memory_space<hbm>> -> memref<128x64xf32, #tpu.memory_space<hbm>>
      %dma_wait3A_99 = arith.constant 0 : i32
      %dma_wait3A_100 = arith.constant 0 : i32
      %dma_wait3A_101 = tpu.memref_slice %arg13[%dma_wait3A_99, %dma_wait3A_100] : memref<128x64xf32, #tpu.memory_space<vmem>> -> memref<128x64xf32, #tpu.memory_space<vmem>>
      tpu.wait_dma2 semaphore(%run_scoped3A : memref<!tpu.dma_semaphore, #tpu.memory_space<semaphore_mem>>) src(%dma_wait3A_101 : memref<128x64xf32, #tpu.memory_space<vmem>>) dst(%dma_wait3A_98 : memref<128x64xf32, #tpu.memory_space<hbm>>)
      tpu.yield
    }) : () -> ()
    %mul3A_71 = arith.constant 640 : i32
    %mul3A_72 = arith.muli %arg1, %mul3A_71 : i32
    %add3A_73 = arith.constant 384 : i32
    %add3A_74 = arith.addi %mul3A_72, %add3A_73 : i32
    "tpu.region"() ({
      %run_scoped3A = tpu.sem_alloc : memref<!tpu.dma_semaphore, #tpu.memory_space<semaphore_mem>>
      %dma_start3A_79 = arith.constant 0 : i32
      %dma_start3A_80 = arith.constant 0 : i32
      %dma_start3A_81 = tpu.memref_slice %arg13[%dma_start3A_79, %dma_start3A_80] : memref<128x64xf32, #tpu.memory_space<vmem>> -> memref<128x64xf32, #tpu.memory_space<vmem>>
      %dma_start3A_82 = arith.constant 0 : i32
      %dma_start3A_83 = tpu.memref_slice %arg14[%add3A_74, %dma_start3A_82] : memref<10240x64xf32, #tpu.memory_space<vmem_shared>> -> memref<128x64xf32, #tpu.memory_space<vmem_shared>>
      %dma_start3A_84 = arith.constant 0 : i32
      %dma_start3A_85 = arith.constant 0 : i32
      %dma_start3A_86 = tpu.memref_slice %arg13[%dma_start3A_84, %dma_start3A_85] : memref<128x64xf32, #tpu.memory_space<vmem>> -> memref<128x64xf32, #tpu.memory_space<vmem>>
      %dma_start3A_87 = arith.constant 0 : i32
      %dma_start3A_88 = tpu.memref_slice %arg14[%add3A_74, %dma_start3A_87] : memref<10240x64xf32, #tpu.memory_space<vmem_shared>> -> memref<128x64xf32, #tpu.memory_space<vmem_shared>>
      tpu.enqueue_dma source(%dma_start3A_88 : memref<128x64xf32, #tpu.memory_space<vmem_shared>>) target(%dma_start3A_86 : memref<128x64xf32, #tpu.memory_space<vmem>>) target_semaphore(%run_scoped3A : memref<!tpu.dma_semaphore, #tpu.memory_space<semaphore_mem>>)
      %dma_wait3A = arith.constant 0 : i32
      %dma_wait3A_89 = arith.constant 0 : i32
      %dma_wait3A_90 = tpu.memref_slice %arg13[%dma_wait3A, %dma_wait3A_89] : memref<128x64xf32, #tpu.memory_space<vmem>> -> memref<128x64xf32, #tpu.memory_space<vmem>>
      %dma_wait3A_91 = arith.constant 0 : i32
      %dma_wait3A_92 = tpu.memref_slice %arg14[%add3A_74, %dma_wait3A_91] : memref<10240x64xf32, #tpu.memory_space<vmem_shared>> -> memref<128x64xf32, #tpu.memory_space<vmem_shared>>
      %dma_wait3A_93 = arith.constant 0 : i32
      %dma_wait3A_94 = arith.constant 0 : i32
      %dma_wait3A_95 = tpu.memref_slice %arg13[%dma_wait3A_93, %dma_wait3A_94] : memref<128x64xf32, #tpu.memory_space<vmem>> -> memref<128x64xf32, #tpu.memory_space<vmem>>
      %dma_wait3A_96 = arith.constant 0 : i32
      %dma_wait3A_97 = tpu.memref_slice %arg14[%add3A_74, %dma_wait3A_96] : memref<10240x64xf32, #tpu.memory_space<vmem_shared>> -> memref<128x64xf32, #tpu.memory_space<vmem_shared>>
      tpu.wait_dma2 semaphore(%run_scoped3A : memref<!tpu.dma_semaphore, #tpu.memory_space<semaphore_mem>>) src(%dma_wait3A_97 : memref<128x64xf32, #tpu.memory_space<vmem_shared>>) dst(%dma_wait3A_95 : memref<128x64xf32, #tpu.memory_space<vmem>>)
      tpu.yield
    }) : () -> ()
    "tpu.region"() ({
      %run_scoped3A = tpu.sem_alloc : memref<!tpu.dma_semaphore, #tpu.memory_space<semaphore_mem>>
      %dma_start3A_79 = arith.constant 0 : i32
      %dma_start3A_80 = arith.constant 0 : i32
      %dma_start3A_81 = tpu.memref_slice %arg13[%dma_start3A_79, %dma_start3A_80] : memref<128x64xf32, #tpu.memory_space<vmem>> -> memref<128x64xf32, #tpu.memory_space<vmem>>
      %dma_start3A_82 = arith.constant 0 : i32
      %dma_start3A_83 = tpu.memref_slice %arg6[%arg0, %add3A_74, %dma_start3A_82] : memref<2x10240x64xf32, #tpu.memory_space<hbm>> -> memref<1x128x64xf32, #tpu.memory_space<hbm>>
      %dma_start3A_84 = tpu.memref_squeeze %dma_start3A_83 : memref<1x128x64xf32, #tpu.memory_space<hbm>> -> memref<128x64xf32, #tpu.memory_space<hbm>>
      %dma_start3A_85 = arith.constant 0 : i32
      %dma_start3A_86 = tpu.memref_slice %arg6[%arg0, %add3A_74, %dma_start3A_85] : memref<2x10240x64xf32, #tpu.memory_space<hbm>> -> memref<1x128x64xf32, #tpu.memory_space<hbm>>
      %dma_start3A_87 = tpu.memref_squeeze %dma_start3A_86 : memref<1x128x64xf32, #tpu.memory_space<hbm>> -> memref<128x64xf32, #tpu.memory_space<hbm>>
      %dma_start3A_88 = arith.constant 0 : i32
      %dma_start3A_89 = arith.constant 0 : i32
      %dma_start3A_90 = tpu.memref_slice %arg13[%dma_start3A_88, %dma_start3A_89] : memref<128x64xf32, #tpu.memory_space<vmem>> -> memref<128x64xf32, #tpu.memory_space<vmem>>
      tpu.enqueue_dma source(%dma_start3A_90 : memref<128x64xf32, #tpu.memory_space<vmem>>) target(%dma_start3A_87 : memref<128x64xf32, #tpu.memory_space<hbm>>) target_semaphore(%run_scoped3A : memref<!tpu.dma_semaphore, #tpu.memory_space<semaphore_mem>>)
      %dma_wait3A = arith.constant 0 : i32
      %dma_wait3A_91 = arith.constant 0 : i32
      %dma_wait3A_92 = tpu.memref_slice %arg13[%dma_wait3A, %dma_wait3A_91] : memref<128x64xf32, #tpu.memory_space<vmem>> -> memref<128x64xf32, #tpu.memory_space<vmem>>
      %dma_wait3A_93 = arith.constant 0 : i32
      %dma_wait3A_94 = tpu.memref_slice %arg6[%arg0, %add3A_74, %dma_wait3A_93] : memref<2x10240x64xf32, #tpu.memory_space<hbm>> -> memref<1x128x64xf32, #tpu.memory_space<hbm>>
      %dma_wait3A_95 = tpu.memref_squeeze %dma_wait3A_94 : memref<1x128x64xf32, #tpu.memory_space<hbm>> -> memref<128x64xf32, #tpu.memory_space<hbm>>
      %dma_wait3A_96 = arith.constant 0 : i32
      %dma_wait3A_97 = tpu.memref_slice %arg6[%arg0, %add3A_74, %dma_wait3A_96] : memref<2x10240x64xf32, #tpu.memory_space<hbm>> -> memref<1x128x64xf32, #tpu.memory_space<hbm>>
      %dma_wait3A_98 = tpu.memref_squeeze %dma_wait3A_97 : memref<1x128x64xf32, #tpu.memory_space<hbm>> -> memref<128x64xf32, #tpu.memory_space<hbm>>
      %dma_wait3A_99 = arith.constant 0 : i32
      %dma_wait3A_100 = arith.constant 0 : i32
      %dma_wait3A_101 = tpu.memref_slice %arg13[%dma_wait3A_99, %dma_wait3A_100] : memref<128x64xf32, #tpu.memory_space<vmem>> -> memref<128x64xf32, #tpu.memory_space<vmem>>
      tpu.wait_dma2 semaphore(%run_scoped3A : memref<!tpu.dma_semaphore, #tpu.memory_space<semaphore_mem>>) src(%dma_wait3A_101 : memref<128x64xf32, #tpu.memory_space<vmem>>) dst(%dma_wait3A_98 : memref<128x64xf32, #tpu.memory_space<hbm>>)
      tpu.yield
    }) : () -> ()
    %mul3A_75 = arith.constant 640 : i32
    %mul3A_76 = arith.muli %arg1, %mul3A_75 : i32
    %add3A_77 = arith.constant 512 : i32
    %add3A_78 = arith.addi %mul3A_76, %add3A_77 : i32
    "tpu.region"() ({
      %run_scoped3A = tpu.sem_alloc : memref<!tpu.dma_semaphore, #tpu.memory_space<semaphore_mem>>
      %dma_start3A_79 = arith.constant 0 : i32
      %dma_start3A_80 = arith.constant 0 : i32
      %dma_start3A_81 = tpu.memref_slice %arg13[%dma_start3A_79, %dma_start3A_80] : memref<128x64xf32, #tpu.memory_space<vmem>> -> memref<128x64xf32, #tpu.memory_space<vmem>>
      %dma_start3A_82 = arith.constant 0 : i32
      %dma_start3A_83 = tpu.memref_slice %arg14[%add3A_78, %dma_start3A_82] : memref<10240x64xf32, #tpu.memory_space<vmem_shared>> -> memref<128x64xf32, #tpu.memory_space<vmem_shared>>
      %dma_start3A_84 = arith.constant 0 : i32
      %dma_start3A_85 = arith.constant 0 : i32
      %dma_start3A_86 = tpu.memref_slice %arg13[%dma_start3A_84, %dma_start3A_85] : memref<128x64xf32, #tpu.memory_space<vmem>> -> memref<128x64xf32, #tpu.memory_space<vmem>>
      %dma_start3A_87 = arith.constant 0 : i32
      %dma_start3A_88 = tpu.memref_slice %arg14[%add3A_78, %dma_start3A_87] : memref<10240x64xf32, #tpu.memory_space<vmem_shared>> -> memref<128x64xf32, #tpu.memory_space<vmem_shared>>
      tpu.enqueue_dma source(%dma_start3A_88 : memref<128x64xf32, #tpu.memory_space<vmem_shared>>) target(%dma_start3A_86 : memref<128x64xf32, #tpu.memory_space<vmem>>) target_semaphore(%run_scoped3A : memref<!tpu.dma_semaphore, #tpu.memory_space<semaphore_mem>>)
      %dma_wait3A = arith.constant 0 : i32
      %dma_wait3A_89 = arith.constant 0 : i32
      %dma_wait3A_90 = tpu.memref_slice %arg13[%dma_wait3A, %dma_wait3A_89] : memref<128x64xf32, #tpu.memory_space<vmem>> -> memref<128x64xf32, #tpu.memory_space<vmem>>
      %dma_wait3A_91 = arith.constant 0 : i32
      %dma_wait3A_92 = tpu.memref_slice %arg14[%add3A_78, %dma_wait3A_91] : memref<10240x64xf32, #tpu.memory_space<vmem_shared>> -> memref<128x64xf32, #tpu.memory_space<vmem_shared>>
      %dma_wait3A_93 = arith.constant 0 : i32
      %dma_wait3A_94 = arith.constant 0 : i32
      %dma_wait3A_95 = tpu.memref_slice %arg13[%dma_wait3A_93, %dma_wait3A_94] : memref<128x64xf32, #tpu.memory_space<vmem>> -> memref<128x64xf32, #tpu.memory_space<vmem>>
      %dma_wait3A_96 = arith.constant 0 : i32
      %dma_wait3A_97 = tpu.memref_slice %arg14[%add3A_78, %dma_wait3A_96] : memref<10240x64xf32, #tpu.memory_space<vmem_shared>> -> memref<128x64xf32, #tpu.memory_space<vmem_shared>>
      tpu.wait_dma2 semaphore(%run_scoped3A : memref<!tpu.dma_semaphore, #tpu.memory_space<semaphore_mem>>) src(%dma_wait3A_97 : memref<128x64xf32, #tpu.memory_space<vmem_shared>>) dst(%dma_wait3A_95 : memref<128x64xf32, #tpu.memory_space<vmem>>)
      tpu.yield
    }) : () -> ()
    "tpu.region"() ({
      %run_scoped3A = tpu.sem_alloc : memref<!tpu.dma_semaphore, #tpu.memory_space<semaphore_mem>>
      %dma_start3A_79 = arith.constant 0 : i32
      %dma_start3A_80 = arith.constant 0 : i32
      %dma_start3A_81 = tpu.memref_slice %arg13[%dma_start3A_79, %dma_start3A_80] : memref<128x64xf32, #tpu.memory_space<vmem>> -> memref<128x64xf32, #tpu.memory_space<vmem>>
      %dma_start3A_82 = arith.constant 0 : i32
      %dma_start3A_83 = tpu.memref_slice %arg6[%arg0, %add3A_78, %dma_start3A_82] : memref<2x10240x64xf32, #tpu.memory_space<hbm>> -> memref<1x128x64xf32, #tpu.memory_space<hbm>>
      %dma_start3A_84 = tpu.memref_squeeze %dma_start3A_83 : memref<1x128x64xf32, #tpu.memory_space<hbm>> -> memref<128x64xf32, #tpu.memory_space<hbm>>
      %dma_start3A_85 = arith.constant 0 : i32
      %dma_start3A_86 = tpu.memref_slice %arg6[%arg0, %add3A_78, %dma_start3A_85] : memref<2x10240x64xf32, #tpu.memory_space<hbm>> -> memref<1x128x64xf32, #tpu.memory_space<hbm>>
      %dma_start3A_87 = tpu.memref_squeeze %dma_start3A_86 : memref<1x128x64xf32, #tpu.memory_space<hbm>> -> memref<128x64xf32, #tpu.memory_space<hbm>>
      %dma_start3A_88 = arith.constant 0 : i32
      %dma_start3A_89 = arith.constant 0 : i32
      %dma_start3A_90 = tpu.memref_slice %arg13[%dma_start3A_88, %dma_start3A_89] : memref<128x64xf32, #tpu.memory_space<vmem>> -> memref<128x64xf32, #tpu.memory_space<vmem>>
      tpu.enqueue_dma source(%dma_start3A_90 : memref<128x64xf32, #tpu.memory_space<vmem>>) target(%dma_start3A_87 : memref<128x64xf32, #tpu.memory_space<hbm>>) target_semaphore(%run_scoped3A : memref<!tpu.dma_semaphore, #tpu.memory_space<semaphore_mem>>)
      %dma_wait3A = arith.constant 0 : i32
      %dma_wait3A_91 = arith.constant 0 : i32
      %dma_wait3A_92 = tpu.memref_slice %arg13[%dma_wait3A, %dma_wait3A_91] : memref<128x64xf32, #tpu.memory_space<vmem>> -> memref<128x64xf32, #tpu.memory_space<vmem>>
      %dma_wait3A_93 = arith.constant 0 : i32
      %dma_wait3A_94 = tpu.memref_slice %arg6[%arg0, %add3A_78, %dma_wait3A_93] : memref<2x10240x64xf32, #tpu.memory_space<hbm>> -> memref<1x128x64xf32, #tpu.memory_space<hbm>>
      %dma_wait3A_95 = tpu.memref_squeeze %dma_wait3A_94 : memref<1x128x64xf32, #tpu.memory_space<hbm>> -> memref<128x64xf32, #tpu.memory_space<hbm>>
      %dma_wait3A_96 = arith.constant 0 : i32
      %dma_wait3A_97 = tpu.memref_slice %arg6[%arg0, %add3A_78, %dma_wait3A_96] : memref<2x10240x64xf32, #tpu.memory_space<hbm>> -> memref<1x128x64xf32, #tpu.memory_space<hbm>>
      %dma_wait3A_98 = tpu.memref_squeeze %dma_wait3A_97 : memref<1x128x64xf32, #tpu.memory_space<hbm>> -> memref<128x64xf32, #tpu.memory_space<hbm>>
      %dma_wait3A_99 = arith.constant 0 : i32
      %dma_wait3A_100 = arith.constant 0 : i32
      %dma_wait3A_101 = tpu.memref_slice %arg13[%dma_wait3A_99, %dma_wait3A_100] : memref<128x64xf32, #tpu.memory_space<vmem>> -> memref<128x64xf32, #tpu.memory_space<vmem>>
      tpu.wait_dma2 semaphore(%run_scoped3A : memref<!tpu.dma_semaphore, #tpu.memory_space<semaphore_mem>>) src(%dma_wait3A_101 : memref<128x64xf32, #tpu.memory_space<vmem>>) dst(%dma_wait3A_98 : memref<128x64xf32, #tpu.memory_space<hbm>>)
      tpu.yield
    }) : () -> ()
    return
  }
}

module attributes {stable_mosaic.version = 14 : i64} {
  func.func @_body(%arg0: i32, %arg1: memref<2x1000x64xf32, #tpu.memory_space<vmem>>, %arg2: memref<128x128xf32, #tpu.memory_space<vmem>>, %arg3: memref<8x128xf32, #tpu.memory_space<vmem>>, %arg4: memref<1000x128xf32, #tpu.memory_space<vmem>>) attributes {dimension_semantics = [#tpu.dimension_semantics<arbitrary>], iteration_bounds = array<i64: 10>, scalar_prefetch = 0 : i64, scratch_operands = 0 : i64, tpu.core_type = #tpu.core_type<tc>, window_params = [{transform_indices = @transform_0, window_bounds = array<i64: 2, 1000, 64>}, {pipeline_mode = #tpu.pipeline_mode<synchronous>, transform_indices = @transform_1, window_bounds = array<i64: 128, 128>}, {pipeline_mode = #tpu.pipeline_mode<synchronous>, transform_indices = @transform_2, window_bounds = array<i64: 8, 128>}, {transform_indices = @transform_3, window_bounds = array<i64: 1000, 128>}]} {
    %get3A = arith.constant 0 : index
    %get3A_0 = arith.constant 0 : index
    %get3A_1 = arith.constant 0 : index
    %get3A_2 = vector.load %arg1[%get3A, %get3A_0, %get3A_1] : memref<2x1000x64xf32, #tpu.memory_space<vmem>>, vector<1x1000x64xf32>
    %get3A_3 = vector.shape_cast %get3A_2 : vector<1x1000x64xf32> to vector<1000x64xf32>
    %get3A_4 = arith.constant 0 : index
    %get3A_5 = arith.constant 0 : index
    %get3A_6 = vector.load %arg2[%get3A_4, %get3A_5] : memref<128x128xf32, #tpu.memory_space<vmem>>, vector<128x64xf32>
    %dot_general3A = arith.constant dense<0.000000e+00> : vector<1000x128xf32>
    %dot_general3A_7 = tpu.matmul %get3A_3, %get3A_6, %dot_general3A {dimension_numbers = #tpu.dot_dimension_numbers<[1], [1], [0], [0], [0, 0, 1, 0], [], []>, transpose_lhs_hint = false} : vector<1000x64xf32>, vector<128x64xf32>, vector<1000x128xf32> -> vector<1000x128xf32>
    %get3A_8 = arith.constant 1 : index
    %get3A_9 = arith.constant 0 : index
    %get3A_10 = arith.constant 0 : index
    %get3A_11 = vector.load %arg1[%get3A_8, %get3A_9, %get3A_10] : memref<2x1000x64xf32, #tpu.memory_space<vmem>>, vector<1x1000x64xf32>
    %get3A_12 = vector.shape_cast %get3A_11 : vector<1x1000x64xf32> to vector<1000x64xf32>
    %get3A_13 = arith.constant 0 : index
    %get3A_14 = arith.constant 64 : index
    %get3A_15 = vector.load %arg2[%get3A_13, %get3A_14] : memref<128x128xf32, #tpu.memory_space<vmem>>, vector<128x64xf32>
    %dot_general3A_16 = arith.constant dense<0.000000e+00> : vector<1000x128xf32>
    %dot_general3A_17 = tpu.matmul %get3A_12, %get3A_15, %dot_general3A_16 {dimension_numbers = #tpu.dot_dimension_numbers<[1], [1], [0], [0], [0, 0, 1, 0], [], []>, transpose_lhs_hint = false} : vector<1000x64xf32>, vector<128x64xf32>, vector<1000x128xf32> -> vector<1000x128xf32>
    %add3A = arith.addf %dot_general3A_7, %dot_general3A_17 : vector<1000x128xf32>
    %get3A_18 = arith.constant 0 : index
    %get3A_19 = arith.constant 0 : index
    %get3A_20 = vector.load %arg3[%get3A_18, %get3A_19] : memref<8x128xf32, #tpu.memory_space<vmem>>, vector<1x128xf32>
    %add3A_21 = vector.broadcast %get3A_20 : vector<1x128xf32> to vector<1000x128xf32>
    %add3A_22 = arith.addf %add3A, %add3A_21 : vector<1000x128xf32>
    %max3A = arith.constant 0.000000e+00 : f32
    %max3A_23 = vector.broadcast %max3A : f32 to vector<1000x128xf32>
    %max3A_24 = arith.maximumf %add3A_22, %max3A_23 : vector<1000x128xf32>
    %swap3A = arith.constant 0 : index
    %swap3A_25 = arith.constant 0 : index
    %swap3A_26 = vector.load %arg4[%swap3A, %swap3A_25] : memref<1000x128xf32, #tpu.memory_space<vmem>>, vector<1000x128xf32>
    tpu.vector_store %arg4[%swap3A, %swap3A_25], %max3A_24 {strides = array<i32>} : memref<1000x128xf32, #tpu.memory_space<vmem>>, vector<1000x128xf32>,
    return
  }
  func.func @transform_0(%arg0: i32) -> (i32, i32, i32) {
    %c0_i32 = arith.constant 0 : i32
    %c0_i32_0 = arith.constant 0 : i32
    %c0_i32_1 = arith.constant 0 : i32
    return %c0_i32, %arg0, %c0_i32_0 : i32, i32, i32
  }
  func.func @transform_1(%arg0: i32) -> (i32, i32) {
    %c0_i32 = arith.constant 0 : i32
    %c0_i32_0 = arith.constant 0 : i32
    %c0_i32_1 = arith.constant 0 : i32
    return %c0_i32, %c0_i32_0 : i32, i32
  }
  func.func @transform_2(%arg0: i32) -> (i32, i32) {
    %c0_i32 = arith.constant 0 : i32
    %c0_i32_0 = arith.constant 0 : i32
    %c0_i32_1 = arith.constant 0 : i32
    return %c0_i32, %c0_i32_0 : i32, i32
  }
  func.func @transform_3(%arg0: i32) -> (i32, i32) {
    %c0_i32 = arith.constant 0 : i32
    %c0_i32_0 = arith.constant 0 : i32
    return %arg0, %c0_i32 : i32, i32
  }
}

</mosaic_0001>

<sc_bundles>
// kernel: kernel.4.cloned.1.call-start
scs
__scs_entry_jumppad:
0x0: {  	(pc) =	sbr.rel $0x88, $3  }
0x1: {  	(tag) =	ssettag $0x0;
	lr =	simm.s32 $0x1  }
0x2: {  	[smem:$0x3F9C] =	sst lr;
	_ =	strace $0xD0000000  }
0x3: {  	_ = 	snop  }
0x4: {  	_ = 	snop  }
0x5: {  	_ = 	snop  }
0x6: {  	_ = 	snop  }
0x7: {  	_ = 	snop  }
__scs_overlays_trampoline_lowered:
0x8: {  	[smem:$0x3FAB] =	sst s0  }
0x9: {  	[smem:$0x3FAC] =	sst s1  }
0xa: {  	[smem:$0x3FAD] =	sst s2  }
0xb: {  	[smem:$0x3FAE] =	sst s3  }
0xc: {  	[smem:$0x3FAF] =	sst s4  }
0xd: {  	[smem:$0x3FB0] =	sst s5  }
0xe: {  	[smem:$0x3FB1] =	sst s6  }
0xf: {  	[smem:$0x3FB2] =	sst s7  }
0x10: {  	[smem:$0x3FB3] =	sst s8  }
0x11: {  	[smem:$0x3FB4] =	sst s9;
	s0 =	simm.s32 @!p0 $0x0  }
0x12: {  	s1 =	sld [smem:$0x3F9A];
	s0 =	simm.s32 @p0 $0x1  }
0x13: {  	[smem:$0x3FB5] =	sst s0;
	s0 =	simm.s32 @!p1 $0x0  }
0x14: {  	s2 =	sld [smem:$0x3F99];
	s0 =	simm.s32 @p1 $0x1  }
0x15: {  	[smem:$0x3FB6] =	sst s0;
	s0 =	simm.s32 @!p2 $0x0  }
0x16: {  	s3 =	sld [smem:$0x3FDB];
	s0 =	simm.s32 @p2 $0x1  }
0x17: {  	s4 =	simm.s32 $0x1BF5;
	[smem:$0x3FB8] =	sst s0  }
0x18: {  	s0 =	sld [smem:$0x3F9B];
	_ =	swait.ge [sflag:s4], $0x0  }
0x19: {  	s7 =	sld [smem:$0x3F9C]  }
0x1a: {  	s8 =	sadd.s32 $0xFFFFE003, lr  }
0x1b: {  	s9 =	sadd.s32 $0xFFFFFEF7, lr;
	s5 =	simm.s32 $0xFFFFFFFF;
	p2 =	slt.u32 s8, $0xFFFFF086  }
0x1c: {  	p1 =	slt.u32 s9, $0xF7A;
	s5 =	simm.s32 @!p2 $0x0  }
0x1d: {  	s5 =	simm.s32 @p1 $0x1;
	p0 =	seq.s32 s7, s2  }
0x1e: {  	s7 =	smul.u32 @!p0 $0xF7A, s2;
	p2 =	seq.s32 @!p0 s5, $0x0  }
0x1f: {  	s9 =	smul.u32 $0xF7A, s1;
	s8 =	simm.s32 @!p0 $0x1BF5;
	p2 =	por !p2, p0  }
0x20: {  	[sflag:s8] =	ssyncset.s32 @!p0 $0xFFFFF086;
	s6 =	sadd.s32 @!p0 s3, s7;
	s7 =	simm.s32 @!p0 $0x108  }
0x21: {  	s3 =	sadd.s32 s3, s9;
	s6 =	sadd.s32 @!p0 $0x88, s6;
	s7 =	simm.s32 @p2 $0x1082  }
0x22: {  	[simem:s7], [sflag:s8] =	dma.local @!p0 [hbm:s6], $0xF7A  }
0x23: {  	s9 =	sor.u32 $0xD0000000, s2;
	s6 =	simm.s32 $0x108;
	_ =	swait.ge @!p0 [sflag:s8], $0x0  }
0x24: {  	s3 =	sadd.s32 $0x88, s3;
	s6 =	simm.s32 @!p1 $0x1082;
	[sflag:s4] =	ssyncset.s32 $0xFFFFF086  }
0x25: {  	[simem:s6], [sflag:s4] =	dma.local [hbm:s3], $0xF7A  }
0x26: {  	[smem:$0x3F9C] =	sst s1;
	(tag) =	ssettag s2;
	_ =	strace s9  }
0x27: {  	s1 =	sld [smem:$0x3FAC]  }
0x28: {  	s2 =	sld [smem:$0x3FAD]  }
0x29: {  	s4 =	sld [smem:$0x3FAF]  }
0x2a: {  	p0 =	seq.s32 s5, $0x0;
	s5 =	sld [smem:$0x3FB0]  }
0x2b: {  	s6 =	sld [smem:$0x3FB1]  }
0x2c: {  	s7 =	sld [smem:$0x3FB2]  }
0x2d: {  	s3 =	simm.s32 $0x108;
	s8 =	sld [smem:$0x3FB3]  }
0x2e: {  	s3 =	simm.s32 @!p0 $0x1082;
	s9 =	sld [smem:$0x3FB4]  }
0x2f: {  	lr =	sadd.s32 s0, s3;
	s0 =	sld [smem:$0x3FAB]  }
0x30: {  	s3 =	sld [smem:$0x3FAE]  }
0x31: {  	[smem:$0x3FB7] =	sst s10  }
0x32: {  	s10 =	sld [smem:$0x3FB5];
	_ =	sdelay $0x3  }
0x33: {  	p0 =	seq.s32 s10, $0x1;
	s10 =	sld [smem:$0x3FB7];
	_ =	sdelay $0x3  }
0x34: {  	[smem:$0x3FB7] =	sst s10  }
0x35: {  	s10 =	sld [smem:$0x3FB6];
	_ =	sdelay $0x3  }
0x36: {  	p1 =	seq.s32 s10, $0x1;
	s10 =	sld [smem:$0x3FB7];
	_ =	sdelay $0x3  }
0x37: {  	[smem:$0x3FB7] =	sst s10  }
0x38: {  	s10 =	sld [smem:$0x3FB8]  }
0x39: {  	_ = 	snop;
	(pc) =	sbr.ind lr, $3  }
0x3a: {  	_ = 	snop  }
0x3b: {  	_ = 	snop  }
0x3c: {  	p2 =	seq.s32 s10, $0x1;
	s10 =	sld [smem:$0x3FB7]  }
0x3d: {  	_ =	shalt  }
0x3e: {  	_ =	shalt  }
0x3f: {  	_ =	shalt  }
0x40: {  	_ =	shalt  }
0x41: {  	_ =	shalt  }
0x42: {  	_ =	shalt  }
0x43: {  	_ =	shalt  }
0x44: {  	_ =	shalt  }
0x45: {  	_ =	shalt  }
0x46: {  	_ =	shalt  }
0x47: {  	_ =	shalt  }
0x48: {  	_ =	shalt  }
0x49: {  	_ =	shalt  }
0x4a: {  	_ =	shalt  }
0x4b: {  	_ =	shalt  }
0x4c: {  	_ =	shalt  }
0x4d: {  	_ =	shalt  }
0x4e: {  	_ =	shalt  }
0x4f: {  	_ =	shalt  }
0x50: {  	_ =	shalt  }
0x51: {  	_ =	shalt  }
0x52: {  	_ =	shalt  }
0x53: {  	_ =	shalt  }
0x54: {  	_ =	shalt  }
0x55: {  	_ =	shalt  }
0x56: {  	_ =	shalt  }
0x57: {  	_ =	shalt  }
0x58: {  	_ =	shalt  }
0x59: {  	_ =	shalt  }
0x5a: {  	_ =	shalt  }
0x5b: {  	_ =	shalt  }
0x5c: {  	_ =	shalt  }
0x5d: {  	_ =	shalt  }
0x5e: {  	_ =	shalt  }
0x5f: {  	_ =	shalt  }
0x60: {  	_ =	shalt  }
0x61: {  	_ =	shalt  }
0x62: {  	_ =	shalt  }
0x63: {  	_ =	shalt  }
0x64: {  	_ =	shalt  }
0x65: {  	_ =	shalt  }
0x66: {  	_ =	shalt  }
0x67: {  	_ =	shalt  }
0x68: {  	_ =	shalt  }
0x69: {  	_ =	shalt  }
0x6a: {  	_ =	shalt  }
0x6b: {  	_ =	shalt  }
0x6c: {  	_ =	shalt  }
0x6d: {  	_ =	shalt  }
0x6e: {  	_ =	shalt  }
0x6f: {  	_ =	shalt  }
0x70: {  	_ =	shalt  }
0x71: {  	_ =	shalt  }
0x72: {  	_ =	shalt  }
0x73: {  	_ =	shalt  }
0x74: {  	_ =	shalt  }
0x75: {  	_ =	shalt  }
0x76: {  	_ =	shalt  }
0x77: {  	_ =	shalt  }
0x78: {  	_ =	shalt  }
0x79: {  	_ =	shalt  }
0x7a: {  	_ =	shalt  }
0x7b: {  	_ =	shalt  }
0x7c: {  	_ =	shalt  }
0x7d: {  	_ =	shalt  }
0x7e: {  	_ =	shalt  }
0x7f: {  	_ =	shalt  }
0x80: {  	_ =	shalt  }
0x81: {  	_ =	shalt  }
0x82: {  	_ =	shalt  }
0x83: {  	_ =	shalt  }
0x84: {  	_ =	shalt  }
0x85: {  	_ =	shalt  }
0x86: {  	_ =	shalt  }
0x87: {  	_ =	shalt  }
.Lfunc_end0:
.L_simem_size_0:
called_computation_lowered:
.L_overlay_start_0:
0x88: {  	s2 =	sld [smem:$0x3FD9]  }
0x89: {  	s3 =	sld [smem:$0x3FFE];
	_ =	sdelay $0x1  }
0x8a: {  	s1 =	srdreg.scid  }
0x8b: {  	s0 =	sand.u32 $0x1, s1  }
0x8c: {  	s17 =	sshll.u32 s0, $0xA;
	s2 =	sadd.s32 s3, s2  }
0x8d: {  	s2 =	sadd.s32 s2, s17  }
0x8e: {  	[smem:$0x3FC3] =	sst s2  }
0x8f: {  	_ = 	snop  }
0x90: {  	s2 =	sld [smem:$0x3FD0];
	(tm) =	ssettm $0x1  }
0x91: {  	s18 =	sld [smem:$0x3FFB];
	_ =	sdelay $0x3  }
0x92: {  	_ =	strace s18  }
0x93: {  	s3 =	sld [smem:$0x3FFC];
	_ =	sdelay $0x3  }
0x94: {  	_ =	strace s3  }
0x95: {  	s3 =	sld [smem:$0x3FFD];
	_ =	sdelay $0x3  }
0x96: {  	_ =	strace s3  }
0x97: {  	_ =	strace $0x8FFFFFFF  }
0x98: {  	s19 =	sld [smem:$0x3FDB];
	_ =	sdelay $0x1  }
0x99: {  	s4 =	simm.s32 $_scs_section_size  }
0x9a: {  	s5 =	simm.s32 $_size__tile_overlayer_lowered;
	s6 =	simm.s32 $_tile_overlayer_lowered  }
0x9b: {  	s22 =	simm.s32 $0x1BFF;
	s21 =	sshll.u32 s6, $0x1;
	s3 =	sadd.s32 s4, s19  }
0x9c: {  	s7 =	simm.s32 $0x0;
	s20 =	sshll.u32 s5, $0x1;
	s5 =	sadd.s32 s21, s3  }
0x9d: {  	[timem:s7], [sflag:s22] =	dma.local [hbm:s5], s20  }
0x9e: {  	_ =	swait.ge [sflag:s22], s20  }
0x9f: {  	s4 =	ssub.s32 $0x0, s20;
	[sflag:s22] =	ssyncset.done $0x0  }
0xa0: {  	[sflag:s22] =	ssyncadd.s32 s4;
	_ =	sdelay $0x1  }
0xa1: {  	s23 =	simm.s32 $0x1B8B  }
0xa2: {  	_ =	swait.ge [sflag:s23], $0x1  }
0xa3: {  	[sflag:s23] =	ssyncset.done $0x0  }
0xa4: {  	s25 =	simm.s32 $0x1B8E;
	s24 =	sld [smem:$0x3FFE];
	[sflag:s23] =	ssyncadd.s32 $0xFFFFFFFF  }
0xa5: {  	s26 =	simm.s32 $execute0_lowered;
	[smem:$0x3FD2] =	sst s25  }
0xa6: {  	s5 =	sshll.u32 s26, $0x1;
	_ =	strace $0x80000046;
	[dreg:$0x1] =	wrdreg $0xFFFFFFFF  }
0xa7: {  	s28 =	simm.s32 $_size_execute0_lowered;
	s3 =	sadd.s32 s3, s5;
	[dreg:$0x0] =	wrdreg $0x0  }
0xa8: {  	s5 =	sshll.u32 s28, $0x1;
	[dreg:$0x2] =	wrdreg s3  }
0xa9: {  	[dreg:$0x3] =	wrdreg s5  }
0xaa: {  	[dreg:$0x4] =	wrdreg $0xC0  }
0xab: {  	_ =	task [dreg:s7], $0x5FFFF  }
0xac: {  	[dreg:$0x1] =	wrdreg $0xFFFFFFFF  }
0xad: {  	[dreg:$0x0] =	wrdreg $0x60  }
0xae: {  	[dreg:$0x2] =	wrdreg s2  }
0xaf: {  	[dreg:$0x3] =	wrdreg s24  }
0xb0: {  	[dreg:$0x4] =	wrdreg $0xEE000  }
0xb1: {  	[dreg:$0x5] =	wrdreg $0x9  }
0xb2: {  	_ =	task.clear_ibuf [dreg:s7], $0x6FFFF;
	_ =	strace $0x90000046  }
0xb3: {  	s29 =	simm.s32 $0x9;
	_ =	strace $0x80000048  }
0xb4: {  	_ =	swait.ge [sflag:s29], $0x1  }
0xb5: {  	[sflag:s29] =	ssyncadd.s32 $0xFFFFFFFF  }
0xb6: {  	_ =	strace $0x90000048  }
0xb7: {  	_ =	sfence  }
0xb8: {  	s30 =	sld [smem:$0x0];
	_ =	sdelay $0x2  }
0xb9: {  	s31 =	sshll.u32 s1, $0xD;
	s1 =	sshrl.u32 s1, $0x2  }
0xba: {  	s3 =	sand.u32 $0x4000, s31;
	s1 =	sadd.s32 s1, s30  }
0xbb: {  	s0 =	sor.u32 s3, s0;
	s1 =	sshll.u32 s1, $0x11  }
0xbc: {  	s0 =	sor.u32 s1, s0  }
0xbd: {  	s0 =	sadd.s32 $0x8F2B, s0  }
0xbe: {  	[sflag:s0] =	ssyncadd.remote.s32 $0x1  }
0xbf: {  	_ =	sfence.sel $0xFFFF  }
0xc0: {  	[dreg:$0x0] =	wrdreg $0xFFFFFFFF;
	(pc) =	sbr.abs _section_cstart, $3  }
0xc1: {  	[dreg:$0x1] =	wrdreg $0xFFFFFFFF  }
0xc2: {  	_ =	task.clear_ibuf [dreg:s7], $0x2FFFF;
	_ =	strace $0x9FFFFFFF  }
0xc3: {  	(tm) =	ssettm $0x7FFFFFFF  }
tec
execute0_lowered:
.L_overlay_start_1:
0x0: {  	(tag) =	ssettag $0x1  }
0x1: {  	s2 =	rddreg [dreg:$0x0]  }
0x2: {  	s0 =	rddreg [dreg:$0x1]  }
0x3: {  	s3 =	rddreg [dreg:$0x2]  }
0x4: {  	s13 =	stileid.u32;
	s5 =	srdreg.scid;
	s4 =	simm.s32 $0x0  }
0x5: {  	s29 =	simm.s32 $0xBE00;
	s30 =	simm.s32 $0xA600;
	s31 =	simm.s32 $0x1  }
0x6: {  	s1 =	smul.u32 $0x4F00, s13;
	s6 =	sand.u32 $0x1, s5;
	[smem:$0x7FF] =	sst s4  }
0x7: {  	s5 =	sadd.s32 $0xB1C00, s0;
	s14 =	smul.u32 $0xA000, s13;
	s15 =	sadd.s32 $0x1DA00, s0  }
0x8: {  	s7 =	smul.u32 $0x4F000, s6;
	_ =	strace $0x80000047;
	s9 =	ssub.s32 $0x2, s6  }
0x9: {  	s6 =	smul.u32 $0xA0000, s6;
	s18 =	sshrl.u32 s1, $0x3;
	s19 =	sshrl.u32 s9, $0x1  }
0xa: {  	s21 =	sadd.s32 $0x2000, s14;
	s22 =	sadd.s32 $0x4000, s14;
	s16 =	sadd.s32 $0x6000, s14  }
0xb: {  	s17 =	sadd.s32 $0x8000, s14;
	s8 =	sadd.s32 s18, s0;
	s1 =	sadd.s32 s1, s7  }
0xc: {  	s7 =	ssub.s32 s9, s19;
	s9 =	sadd.s32 s21, s3;
	s10 =	sadd.s32 s22, s3  }
0xd: {  	s11 =	sadd.s32 s16, s3;
	s12 =	sadd.s32 s17, s3;
	s18 =	smul.u32 $0x9E00, s13  }
0xe: {  	s13 =	smul.u32 $0x9E, s13;
	s19 =	sadd.s32 s14, s6;
	s25 =	sadd.s32 s6, s22  }
0xf: {  	s26 =	sadd.s32 s6, s16;
	s22 =	simm.s32 $0x3;
	s1 =	sshrl.u32 s1, $0x3  }
0x10: {  	s20 =	sadd.s32 $0x13C00, s8;
	s8 =	sadd.s32 s14, s3;
	s23 =	sshrl.u32 s19, $0x3  }
0x11: {  	s0 =	sadd.s32 s0, s1;
	[dreg:$0x5] =	wrdreg s20;
	s14 =	sadd.s32 s5, s18  }
0x12: {  	s18 =	sadd.s32 s15, s23;
	s1 =	sshrl.u32 s26, $0x3;
	[dreg:$0x4] =	wrdreg s0  }
0x13: {  	s0 =	sadd.s32 s6, s21;
	s24 =	sadd.s32 $0x100, s14;
	[dreg:$0x7] =	wrdreg s18  }
0x14: {  	s6 =	sadd.s32 s6, s17;
	s28 =	sadd.s32 s15, s1;
	s21 =	smax.u32 s7, $0x1  }
.Ltmp0:
0x15: {  	s0 =	sshrl.u32 s0, $0x3;
	[dreg:$0x6] =	wrdreg s24;
	(pc) =	sbr.rel .LBB2_1-.Ltmp0, $4  }
0x16: {  	s1 =	simm.s32 $0x2;
	[dreg:$0xa] =	wrdreg s28;
	s0 =	sadd.s32 s15, s0  }
0x17: {  	s6 =	sshrl.u32 s6, $0x3;
	[dreg:$0x8] =	wrdreg s0;
	s0 =	sshrl.u32 s25, $0x3  }
0x18: {  	s24 =	simm.s32 $0xCE00;
	s20 =	sadd.s32 s15, s6;
	s0 =	sadd.s32 s15, s0  }
0x19: {  	v0 =	vimm.f32 $0.0e+00;
	s25 =	simm.s32 $0x80;
	[dreg:$0x9] =	wrdreg s0;
	s0 =	simm.s32 $0x0  }
.LBB2_10:
0x1a: {  	[bflag:$0x0] =	sbarrier.arrive $0xFFFF  }
0x1b: {  	[tilespmem:s24], [sflag:$0x3] =	stream.linear.gather [spmem:s8], $0x2000, $0x38;
	[tilespmem:$0x18E00] =	vst v63  }
0x1c: {  	_ =	swait.ge [sflag:s22], $0x2000  }
0x1d: {  	[sflag:s22] =	ssyncset.done $0x0  }
0x1e: {  	s6 =	rddreg [dreg:$0x7];
	[sflag:s22] =	ssyncadd.s32 $0xFFFFE000  }
0x1f: {  	[hbm4b:s6+s4] =	stream.linear.scatter [tilespmem:s24], [sflag:$0x3], $0x2000, $0x38;
	[tilespmem:$0x18E00] =	vst v63  }
0x20: {  	_ =	swait.ge [sflag:s22], $0x2000  }
0x21: {  	[sflag:s22] =	ssyncset.done $0x0  }
0x22: {  	[sflag:s22] =	ssyncadd.s32 $0xFFFFE000  }
0x23: {  	[tilespmem:s24], [sflag:$0x3] =	stream.linear.gather [spmem:s9], $0x2000, $0x38;
	[tilespmem:$0x18E00] =	vst v63  }
0x24: {  	_ =	swait.ge [sflag:s22], $0x2000  }
0x25: {  	[sflag:s22] =	ssyncset.done $0x0  }
0x26: {  	s23 =	rddreg [dreg:$0x8];
	[sflag:s22] =	ssyncadd.s32 $0xFFFFE000  }
0x27: {  	[hbm4b:s23+s4] =	stream.linear.scatter [tilespmem:s24], [sflag:$0x3], $0x2000, $0x38;
	[tilespmem:$0x18E00] =	vst v63  }
0x28: {  	_ =	swait.ge [sflag:s22], $0x2000  }
0x29: {  	[sflag:s22] =	ssyncset.done $0x0  }
0x2a: {  	[sflag:s22] =	ssyncadd.s32 $0xFFFFE000  }
0x2b: {  	[tilespmem:s24], [sflag:$0x3] =	stream.linear.gather [spmem:s10], $0x2000, $0x38;
	[tilespmem:$0x18E00] =	vst v63  }
0x2c: {  	_ =	swait.ge [sflag:s22], $0x2000  }
0x2d: {  	[sflag:s22] =	ssyncset.done $0x0  }
0x2e: {  	s26 =	rddreg [dreg:$0x9];
	[sflag:s22] =	ssyncadd.s32 $0xFFFFE000  }
0x2f: {  	[hbm4b:s26+s4] =	stream.linear.scatter [tilespmem:s24], [sflag:$0x3], $0x2000, $0x38;
	[tilespmem:$0x18E00] =	vst v63  }
0x30: {  	_ =	swait.ge [sflag:s22], $0x2000  }
0x31: {  	[sflag:s22] =	ssyncset.done $0x0  }
0x32: {  	[sflag:s22] =	ssyncadd.s32 $0xFFFFE000  }
0x33: {  	[tilespmem:s24], [sflag:$0x3] =	stream.linear.gather [spmem:s11], $0x2000, $0x38;
	[tilespmem:$0x18E00] =	vst v63  }
0x34: {  	_ =	swait.ge [sflag:s22], $0x2000  }
0x35: {  	[sflag:s22] =	ssyncset.done $0x0  }
0x36: {  	s28 =	rddreg [dreg:$0xa];
	[sflag:s22] =	ssyncadd.s32 $0xFFFFE000  }
0x37: {  	[hbm4b:s28+s4] =	stream.linear.scatter [tilespmem:s24], [sflag:$0x3], $0x2000, $0x38;
	[tilespmem:$0x18E00] =	vst v63  }
0x38: {  	_ =	swait.ge [sflag:s22], $0x2000  }
0x39: {  	[sflag:s22] =	ssyncset.done $0x0  }
0x3a: {  	[sflag:s22] =	ssyncadd.s32 $0xFFFFE000  }
0x3b: {  	[tilespmem:s24], [sflag:$0x3] =	stream.linear.gather [spmem:s12], $0x2000, $0x38;
	[tilespmem:$0x18E00] =	vst v63  }
0x3c: {  	s0 =	sadd.s32 $0x1, s0;
	_ =	swait.ge [sflag:s22], $0x2000  }
0x3d: {  	p0 =	sne.s32 s0, s21;
	[sflag:s22] =	ssyncset.done $0x0  }
.Ltmp1:
0x3e: {  	[sflag:s22] =	ssyncadd.s32 $0xFFFFE000;
	(pc) =	sbr.rel @!p0 .LBB2_11-.Ltmp1, $4  }
0x3f: {  	[hbm4b:s20+s4] =	stream.linear.scatter [tilespmem:s24], [sflag:$0x3], $0x2000, $0x38;
	[tilespmem:$0x18E00] =	vst v63  }
0x40: {  	_ =	swait.ge [sflag:s22], $0x2000  }
0x41: {  	[sflag:s22] =	ssyncset.done $0x0  }
0x42: {  	[sflag:s22] =	ssyncadd.s32 $0xFFFFE000  }
.LBB2_1:
0x43: {  	s6 =	rddreg [dreg:$0x4]  }
0x44: {  	[tilespmem:s4], [sflag:$0x3] =	stream.linear.gather [hbm4b:s6+s4], $0x4F00, $0x38;
	[tilespmem:$0x18E00] =	vst v63  }
0x45: {  	_ =	swait.ge [sflag:s22], $0x4F00  }
0x46: {  	[sflag:s22] =	ssyncset.done $0x0  }
0x47: {  	s7 =	simm.s32 $0x4F00;
	s28 =	rddreg [dreg:$0x5];
	[sflag:s22] =	ssyncadd.s32 $0xFFFFB100  }
0x48: {  	[tilespmem:s7], [sflag:$0x3] =	stream.linear.gather [hbm4b:s28+s4], $0x4F00, $0x38;
	[tilespmem:$0x18E00] =	vst v63  }
0x49: {  	_ =	swait.ge [sflag:s22], $0x4F00  }
0x4a: {  	[sflag:s22] =	ssyncset.done $0x0  }
0x4b: {  	s6 =	simm.s32 $0xCF00;
	[sflag:s22] =	ssyncadd.s32 $0xFFFFB100  }
0x4c: {  	[tilespmem:s6+$0xFFFFFF00] =	vst v0  }
0x4d: {  	[tilespmem:s6+$0xF0] =	vst v0  }
0x4e: {  	[tilespmem:s6+$0xE0] =	vst v0  }
0x4f: {  	[tilespmem:s6+$0xD0] =	vst v0  }
0x50: {  	[tilespmem:s6+$0xC0] =	vst v0  }
0x51: {  	[tilespmem:s6+$0xB0] =	vst v0  }
0x52: {  	[tilespmem:s6+$0xA0] =	vst v0  }
0x53: {  	[tilespmem:s6+$0x90] =	vst v0  }
0x54: {  	[tilespmem:s6+$0x80] =	vst v0  }
0x55: {  	[tilespmem:s6+$0x70] =	vst v0  }
0x56: {  	[tilespmem:s6+$0x60] =	vst v0  }
0x57: {  	[tilespmem:s6+$0x50] =	vst v0  }
0x58: {  	[tilespmem:s6+$0x40] =	vst v0  }
0x59: {  	[tilespmem:s6+$0x30] =	vst v0  }
0x5a: {  	[tilespmem:s6+$0x20] =	vst v0  }
0x5b: {  	[tilespmem:s6+$0x10] =	vst v0  }
0x5c: {  	[tilespmem:s6+$0x0] =	vst v0  }
0x5d: {  	[tilespmem:s6+$0xFFFFFFF0] =	vst v0  }
0x5e: {  	[tilespmem:s6+$0xFFFFFFE0] =	vst v0  }
0x5f: {  	[tilespmem:s6+$0xFFFFFFD0] =	vst v0  }
0x60: {  	[tilespmem:s6+$0xFFFFFFC0] =	vst v0  }
0x61: {  	[tilespmem:s6+$0xFFFFFFB0] =	vst v0  }
0x62: {  	[tilespmem:s6+$0xFFFFFFA0] =	vst v0  }
0x63: {  	[tilespmem:s6+$0xFFFFFF90] =	vst v0  }
0x64: {  	[tilespmem:s6+$0xFFFFFF80] =	vst v0  }
0x65: {  	[tilespmem:s6+$0xFFFFFF70] =	vst v0  }
0x66: {  	[tilespmem:s6+$0xFFFFFF60] =	vst v0  }
0x67: {  	[tilespmem:s6+$0xFFFFFF50] =	vst v0  }
0x68: {  	[tilespmem:s6+$0xFFFFFF40] =	vst v0  }
0x69: {  	[tilespmem:s6+$0xFFFFFF30] =	vst v0  }
0x6a: {  	s7 =	simm.s32 $0x0;
	[tilespmem:s6+$0xFFFFFF20] =	vst v0  }
.LBB2_2:
0x6b: {  	s7 =	sadd.s32 $0x8, s7;
	[tilespmem:s6+$0xFFFFFF10] =	vst v0;
	s6 =	sadd.s32 $0x200, s6  }
0x6c: {  	[tilespmem:s6+$0xFFFFFF00] =	vst v0;
	p0 =	slt.u32 s7, $0x78  }
0x6d: {  	[tilespmem:s6+$0xF0] =	vst v0  }
0x6e: {  	[tilespmem:s6+$0xE0] =	vst v0  }
0x6f: {  	[tilespmem:s6+$0xD0] =	vst v0  }
0x70: {  	[tilespmem:s6+$0xC0] =	vst v0  }
0x71: {  	[tilespmem:s6+$0xB0] =	vst v0  }
0x72: {  	[tilespmem:s6+$0xA0] =	vst v0  }
0x73: {  	[tilespmem:s6+$0x90] =	vst v0  }
0x74: {  	[tilespmem:s6+$0x80] =	vst v0  }
0x75: {  	[tilespmem:s6+$0x70] =	vst v0  }
0x76: {  	[tilespmem:s6+$0x60] =	vst v0  }
0x77: {  	[tilespmem:s6+$0x50] =	vst v0  }
0x78: {  	[tilespmem:s6+$0x40] =	vst v0  }
0x79: {  	[tilespmem:s6+$0x30] =	vst v0  }
0x7a: {  	[tilespmem:s6+$0x20] =	vst v0  }
0x7b: {  	[tilespmem:s6+$0x10] =	vst v0  }
0x7c: {  	[tilespmem:s6+$0x0] =	vst v0  }
0x7d: {  	[tilespmem:s6+$0xFFFFFFF0] =	vst v0  }
0x7e: {  	[tilespmem:s6+$0xFFFFFFE0] =	vst v0  }
0x7f: {  	[tilespmem:s6+$0xFFFFFFD0] =	vst v0  }
0x80: {  	[tilespmem:s6+$0xFFFFFFC0] =	vst v0  }
0x81: {  	[tilespmem:s6+$0xFFFFFFB0] =	vst v0  }
0x82: {  	[tilespmem:s6+$0xFFFFFFA0] =	vst v0  }
0x83: {  	[tilespmem:s6+$0xFFFFFF90] =	vst v0  }
0x84: {  	[tilespmem:s6+$0xFFFFFF80] =	vst v0  }
0x85: {  	[tilespmem:s6+$0xFFFFFF70] =	vst v0  }
.Ltmp2:
0x86: {  	[tilespmem:s6+$0xFFFFFF60] =	vst v0;
	(pc) =	sbr.rel @p0 .LBB2_2-.Ltmp2, $4  }
0x87: {  	[tilespmem:s6+$0xFFFFFF50] =	vst v0  }
0x88: {  	[tilespmem:s6+$0xFFFFFF40] =	vst v0  }
0x89: {  	[tilespmem:s6+$0xFFFFFF30] =	vst v0  }
0x8a: {  	[tilespmem:s6+$0xFFFFFF20] =	vst v0  }
0x8b: {  	[tilespmem:s6+$0xFFFFFF10] =	vst v0  }
0x8c: {  	[spmem:s8] =	stream.linear.scatter [tilespmem:s24], [sflag:$0x3], $0x2000, $0x38;
	[tilespmem:$0x18E00] =	vst v63  }
0x8d: {  	_ =	swait.ge [sflag:s22], $0x2000  }
0x8e: {  	[sflag:s22] =	ssyncset.done $0x0  }
0x8f: {  	[sflag:s22] =	ssyncadd.s32 $0xFFFFE000  }
0x90: {  	[spmem:s9] =	stream.linear.scatter [tilespmem:s24], [sflag:$0x3], $0x2000, $0x38;
	[tilespmem:$0x18E00] =	vst v63  }
0x91: {  	_ =	swait.ge [sflag:s22], $0x2000  }
0x92: {  	[sflag:s22] =	ssyncset.done $0x0  }
0x93: {  	[sflag:s22] =	ssyncadd.s32 $0xFFFFE000  }
0x94: {  	[spmem:s10] =	stream.linear.scatter [tilespmem:s24], [sflag:$0x3], $0x2000, $0x38;
	[tilespmem:$0x18E00] =	vst v63  }
0x95: {  	_ =	swait.ge [sflag:s22], $0x2000  }
0x96: {  	[sflag:s22] =	ssyncset.done $0x0  }
0x97: {  	[sflag:s22] =	ssyncadd.s32 $0xFFFFE000  }
0x98: {  	[spmem:s11] =	stream.linear.scatter [tilespmem:s24], [sflag:$0x3], $0x2000, $0x38;
	[tilespmem:$0x18E00] =	vst v63  }
0x99: {  	_ =	swait.ge [sflag:s22], $0x2000  }
0x9a: {  	[sflag:s22] =	ssyncset.done $0x0  }
0x9b: {  	[sflag:s22] =	ssyncadd.s32 $0xFFFFE000  }
0x9c: {  	[spmem:s12] =	stream.linear.scatter [tilespmem:s24], [sflag:$0x3], $0x2000, $0x38;
	[tilespmem:$0x18E00] =	vst v63  }
0x9d: {  	_ =	swait.ge [sflag:s22], $0x2000  }
0x9e: {  	[sflag:s22] =	ssyncset.done $0x0  }
0x9f: {  	[sflag:s22] =	ssyncadd.s32 $0xFFFFE000  }
0xa0: {  	s23 =	simm.s32 $0x0;
	s19 =	simm.s32 $0xAE00;
	[bflag:$0x0] =	sbarrier.arrive $0xFFFF  }
0xa1: {  	[tilespmem:s19], [sflag:$0x1] =	stream.indirect.gather [hbm4b:s2+s25], $0x20, s23, s25, $0xb8;
	[tilespmem:$0x18E00] =	vst v63  }
0xa2: {  	s26 =	simm.s32 $0x9E00  }
0xa3: {  	[tilespmem:s26], [sflag:$0x1] =	stream.linear.gather [hbm4b:s14+s23], $0x800, $0x38;
	[tilespmem:$0x18E00] =	vst v63  }
0xa4: {  	_ = 	snop  }
0xa5: {  	[tilespmem:s29], [sflag:$0x2] =	stream.indirect.gather [hbm4b:s2+s25], $0x20, s25, s25, $0xb8;
	[tilespmem:$0x18E00] =	vst v63  }
0xa6: {  	s28 =	rddreg [dreg:$0x6]  }
0xa7: {  	[tilespmem:s30], [sflag:$0x2] =	stream.linear.gather [hbm4b:s28+s23], $0x800, $0x38;
	[tilespmem:$0x18E00] =	vst v63  }
.LBB2_4:
0xa8: {  	_ =	swait.ge [sflag:s31], $0x1000  }
0xa9: {  	[sflag:s31] =	ssyncset.done $0x0  }
0xaa: {  	[sflag:s31] =	ssyncadd.s32 $0xFFFFF000  }
0xab: {  	_ =	swait.ge [sflag:s31], $0x800  }
0xac: {  	[sflag:s31] =	ssyncset.done $0x0  }
0xad: {  	s16 =	simm.s32 $0xAE80;
	[sflag:s31] =	ssyncadd.s32 $0xFFFFF800  }
0xae: {  	v1 =	vld [tilespmem:s16+$0x20]  }
0xaf: {  	v2 =	vld [tilespmem:s16+$0xFFFFFFA0]  }
0xb0: {  	v3 =	vld [tilespmem:s16+$0x60]  }
0xb1: {  	v5 =	vld [tilespmem:s16+$0x40]  }
0xb2: {  	v6 =	vld [tilespmem:s16+$0xFFFFFF80]  }
0xb3: {  	v14 =	vld [tilespmem:s16+$0xFFFFFFE0];
	_ =	sdelay $0x1  }
0xb4: {  	s6 =	simm.s32 $0x9E40;
	v7 =	vshll.u32 v1, $0x10;
	v1 =	vshra.s32 v1, $0x10  }
0xb5: {  	v4 =	vld [tilespmem:s6+$0x10];
	v9 =	vshll.u32 v3, $0x10;
	v3 =	vshra.s32 v3, $0x10;
	v11 =	vshra.s32 v2, $0x10  }
0xb6: {  	v12 =	vshll.u32 v6, $0x10;
	v15 =	vshll.u32 v5, $0x10;
	v5 =	vshra.s32 v5, $0x10  }
0xb7: {  	v10 =	vld [tilespmem:s6+$0x30];
	v6 =	vshra.s32 v6, $0x10;
	v20 =	vshll.u32 v14, $0x10;
	v1 =	vcvt.s32.f32 v1  }
0xb8: {  	v8 =	vld [tilespmem:s16+$0x0];
	v7 =	vshra.s32 v7, $0x10;
	v3 =	vcvt.s32.f32 v3;
	v18 =	vcvt.s32.f32 v11  }
0xb9: {  	v13 =	vld [tilespmem:s6+$0x20];
	v9 =	vshra.s32 v9, $0x10;
	v5 =	vcvt.s32.f32 v5;
	v7 =	vcvt.s32.f32 v7  }
0xba: {  	v16 =	vld [tilespmem:s16+$0xFFFFFFC0];
	v2 =	vshll.u32 v2, $0x10;
	v17 =	vcvt.s32.f32 v9;
	v1 =	vmul.f32 v1, v4  }
0xbb: {  	s26 =	simm.s32 $0xCF00;
	v14 =	vshra.s32 v14, $0x10;
	v6 =	vcvt.s32.f32 v6;
	v7 =	vmul.f32 v7, v4  }
0xbc: {  	v15 =	vshra.s32 v15, $0x10;
	v9 =	vld [tilespmem:s6+$0xFFFFFFC0];
	v3 =	vmul.f32 v3, v10;
	v11 =	vmul.f32 v17, v10;
	[tilespmem:s26+$0x50] =	vst v1  }
0xbd: {  	v1 =	vshll.u32 v8, $0x10;
	[tilespmem:s26+$0x40] =	vst v7;
	v7 =	vshra.s32 v12, $0x10;
	v12 =	vshra.s32 v8, $0x10;
	v8 =	vld [tilespmem:s6+$0x0]  }
0xbe: {  	v2 =	vshra.s32 v2, $0x10;
	v14 =	vcvt.s32.f32 v14;
	v15 =	vcvt.s32.f32 v15;
	[tilespmem:s26+$0xC0] =	vst v11;
	v11 =	vld [tilespmem:s6+$0xFFFFFFD0]  }
0xbf: {  	v21 =	vshll.u32 v16, $0x10;
	v2 =	vcvt.s32.f32 v2;
	v5 =	vmul.f32 v5, v13;
	[tilespmem:s26+$0xD0] =	vst v3;
	v17 =	vld [tilespmem:s16+$0x30]  }
0xc0: {  	v15 =	vmul.f32 v15, v13;
	v3 =	vshra.s32 v16, $0x10;
	v16 =	vshra.s32 v20, $0x10;
	v20 =	vld [tilespmem:s16+$0x70]  }
0xc1: {  	v16 =	vcvt.s32.f32 v16;
	v7 =	vcvt.s32.f32 v7  }
0xc2: {  	v19 =	vshra.s32 v1, $0x10;
	v1 =	vld [tilespmem:s6+$0xFFFFFFF0];
	v3 =	vcvt.s32.f32 v3;
	v12 =	vcvt.s32.f32 v12  }
0xc3: {  	[tilespmem:s26+$0x90] =	vst v5;
	v7 =	vmul.f32 v7, v9;
	v2 =	vmul.f32 v2, v11  }
0xc4: {  	[tilespmem:s26+$0x80] =	vst v15;
	v5 =	vmul.f32 v12, v8;
	v18 =	vmul.f32 v18, v11;
	v22 =	vshll.u32 v17, $0x10  }
0xc5: {  	v23 =	vld [tilespmem:s16+$0x50];
	v12 =	vshra.s32 v22, $0x10;
	v22 =	vshra.s32 v20, $0x10;
	[tilespmem:s26+$0xFFFFFF40] =	vst v2;
	v2 =	vshra.s32 v17, $0x10  }
0xc6: {  	v17 =	vcvt.s32.f32 v19;
	v19 =	vshll.u32 v20, $0x10;
	[tilespmem:s26+$0xFFFFFF50] =	vst v18;
	v15 =	vcvt.s32.f32 v12;
	v12 =	vld [tilespmem:s6+$0xFFFFFFE0]  }
0xc7: {  	v16 =	vmul.f32 v16, v1;
	v22 =	vcvt.s32.f32 v22;
	v18 =	vshra.s32 v19, $0x10;
	v19 =	vld [tilespmem:s16+$0xFFFFFFB0];
	s6 =	simm.s32 $0xAF80  }
0xc8: {  	v14 =	vmul.f32 v14, v1;
	v2 =	vcvt.s32.f32 v2;
	v24 =	vld [tilespmem:s6+$0xFFFFFFA0]  }
0xc9: {  	v18 =	vcvt.s32.f32 v18;
	v25 =	vld [tilespmem:s6+$0xFFFFFF80];
	v20 =	vmul.f32 v22, v10  }
0xca: {  	v28 =	vld [tilespmem:s6+$0x0];
	v15 =	vmul.f32 v15, v4;
	v22 =	vmul.f32 v2, v4;
	v4 =	vshra.s32 v23, $0x10  }
0xcb: {  	[tilespmem:s26+$0xFFFFFFD0] =	vst v14;
	v17 =	vmul.f32 v17, v8;
	v14 =	vld [tilespmem:s6+$0xFFFFFFE0];
	v4 =	vcvt.s32.f32 v4  }
0xcc: {  	v21 =	vshra.s32 v21, $0x10;
	[tilespmem:s26+$0xFFFFFF00] =	vst v7;
	v10 =	vmul.f32 v18, v10;
	v2 =	vmul.f32 v3, v12  }
0xcd: {  	[tilespmem:s26+$0x10] =	vst v5;
	v5 =	vld [tilespmem:s6+$0x60];
	v3 =	vmul.f32 v6, v9;
	v6 =	vcvt.s32.f32 v21  }
0xce: {  	[tilespmem:s26+$0x0] =	vst v17;
	v17 =	vld [tilespmem:s6+$0x20];
	v21 =	vshll.u32 v23, $0x10;
	v4 =	vmul.f32 v4, v13;
	v23 =	vshll.u32 v19, $0x10  }
0xcf: {  	[tilespmem:s26+$0x70] =	vst v22;
	v7 =	vshra.s32 v21, $0x10;
	v23 =	vshra.s32 v23, $0x10;
	v31 =	vshll.u32 v25, $0x10  }
0xd0: {  	[tilespmem:s26+$0xE0] =	vst v10;
	v34 =	vshll.u32 v28, $0x10;
	v10 =	vshra.s32 v14, $0x10;
	v22 =	vshll.u32 v24, $0x10  }
0xd1: {  	s15 =	simm.s32 $0x9EC0;
	v21 =	vld [tilespmem:s16+$0x10];
	v6 =	vmul.f32 v6, v12;
	v7 =	vcvt.s32.f32 v7;
	[tilespmem:s26+$0xFFFFFF10] =	vst v3;
	v3 =	vshra.s32 v19, $0x10  }
0xd2: {  	v27 =	vld [tilespmem:s15+$0x10];
	[tilespmem:s26+$0xFFFFFFC0] =	vst v16;
	v57 =	vshra.s32 v34, $0x10;
	v23 =	vcvt.s32.f32 v23;
	v26 =	vcvt.s32.f32 v3  }
0xd3: {  	v56 =	vld [tilespmem:s6+$0xFFFFFFC0];
	v29 =	vshll.u32 v17, $0x10;
	v17 =	vshra.s32 v17, $0x10;
	[tilespmem:s26+$0xFFFFFF80] =	vst v6;
	v6 =	vshll.u32 v5, $0x10  }
0xd4: {  	[tilespmem:s26+$0xFFFFFF90] =	vst v2;
	v2 =	vld [tilespmem:s6+$0x40];
	v7 =	vmul.f32 v7, v13;
	v5 =	vshra.s32 v5, $0x10;
	v16 =	vcvt.s32.f32 v17  }
0xd5: {  	v63 =	vmul.f32 v23, v11;
	v6 =	vshra.s32 v6, $0x10;
	v3 =	vcvt.s32.f32 v5  }
0xd6: {  	v5 =	vshll.u32 v21, $0x10;
	v19 =	vshra.s32 v21, $0x10;
	v21 =	vshra.s32 v24, $0x10  }
0xd7: {  	v16 =	vmul.f32 v16, v27;
	[tilespmem:s26+$0xA0] =	vst v7;
	v7 =	vshra.s32 v31, $0x10;
	v35 =	vcvt.s32.f32 v6  }
0xd8: {  	v13 =	vld [tilespmem:s16+$0xFFFFFF90];
	v31 =	vshra.s32 v56, $0x10;
	v30 =	vshra.s32 v5, $0x10;
	v5 =	vshra.s32 v29, $0x10  }
0xd9: {  	v32 =	vshll.u32 v2, $0x10;
	v54 =	vshra.s32 v2, $0x10;
	v36 =	vcvt.s32.f32 v21  }
0xda: {  	v18 =	vld [tilespmem:s16+$0xFFFFFFD0];
	v21 =	vshra.s32 v28, $0x10;
	v19 =	vcvt.s32.f32 v19;
	v28 =	vcvt.s32.f32 v57  }
0xdb: {  	s7 =	simm.s32 $0xD100;
	v29 =	vcvt.s32.f32 v5;
	v5 =	vld [tilespmem:s15+$0x30];
	v17 =	vshra.s32 v32, $0x10;
	v30 =	vcvt.s32.f32 v30  }
0xdc: {  	v6 =	vld [tilespmem:s15+$0x20];
	[tilespmem:s7+$0x50] =	vst v16;
	v16 =	vshra.s32 v25, $0x10;
	v25 =	vcvt.s32.f32 v7;
	v17 =	vcvt.s32.f32 v17  }
0xdd: {  	[tilespmem:s26+$0xF0] =	vst v20;
	v55 =	vshll.u32 v13, $0x10;
	v20 =	vmul.f32 v29, v27;
	v29 =	vcvt.s32.f32 v54  }
0xde: {  	[tilespmem:s26+$0x60] =	vst v15;
	v2 =	vld [tilespmem:s15+$0xFFFFFFC0];
	v13 =	vshra.s32 v13, $0x10;
	v30 =	vmul.f32 v30, v8;
	v8 =	vmul.f32 v19, v8  }
0xdf: {  	[tilespmem:s26+$0xB0] =	vst v4;
	v33 =	vshra.s32 v18, $0x10;
	v62 =	vcvt.s32.f32 v13;
	v13 =	vmul.f32 v26, v11  }
0xe0: {  	v7 =	vld [tilespmem:s15+$0xFFFFFFF0];
	v18 =	vshll.u32 v18, $0x10;
	v33 =	vcvt.s32.f32 v33;
	[tilespmem:s7+$0x40] =	vst v20;
	v3 =	vmul.f32 v3, v5  }
0xe1: {  	v18 =	vshra.s32 v18, $0x10;
	v24 =	vmul.f32 v17, v6;
	[tilespmem:s26+$0x30] =	vst v8;
	v4 =	vmul.f32 v35, v5;
	v58 =	vld [tilespmem:s6+$0x30]  }
0xe2: {  	v17 =	vcvt.s32.f32 v31;
	v20 =	vshll.u32 v14, $0x10;
	v15 =	vmul.f32 v33, v12;
	[tilespmem:s7+$0xD0] =	vst v3;
	v3 =	vld [tilespmem:s15+$0xFFFFFFD0]  }
0xe3: {  	v25 =	vmul.f32 v25, v2;
	v18 =	vcvt.s32.f32 v18;
	v20 =	vshra.s32 v20, $0x10;
	[tilespmem:s7+$0xC0] =	vst v4;
	v4 =	vld [tilespmem:s15+$0x0]  }
0xe4: {  	v14 =	vcvt.s32.f32 v20;
	v20 =	vcvt.s32.f32 v21;
	[tilespmem:s26+$0xFFFFFFB0] =	vst v15;
	v15 =	vshra.s32 v22, $0x10  }
0xe5: {  	[tilespmem:s7+$0x80] =	vst v24;
	v21 =	vmul.f32 v29, v6;
	v60 =	vld [tilespmem:s6+$0x70];
	v15 =	vcvt.s32.f32 v15  }
0xe6: {  	[tilespmem:s7+$0xFFFFFF00] =	vst v25;
	v12 =	vmul.f32 v18, v12;
	v14 =	vmul.f32 v14, v7;
	v22 =	vshll.u32 v58, $0x10  }
0xe7: {  	[tilespmem:s7+$0x90] =	vst v21;
	v21 =	vshra.s32 v22, $0x10;
	v22 =	vmul.f32 v15, v3;
	v15 =	vshra.s32 v55, $0x10  }
0xe8: {  	[tilespmem:s26+$0xFFFFFFA0] =	vst v12;
	v18 =	vld [tilespmem:s6+$0x50];
	v20 =	vmul.f32 v20, v4;
	v25 =	vcvt.s32.f32 v15  }
0xe9: {  	v59 =	vshll.u32 v56, $0x10;
	[tilespmem:s7+$0xFFFFFFC0] =	vst v14;
	v24 =	vcvt.s32.f32 v21;
	v8 =	vmul.f32 v36, v3  }
0xea: {  	v21 =	vshll.u32 v60, $0x10;
	v29 =	vshra.s32 v60, $0x10;
	[tilespmem:s7+$0x10] =	vst v20;
	v19 =	vmul.f32 v25, v9;
	v25 =	vld [tilespmem:s16+$0xFFFFFFF0]  }
0xeb: {  	v20 =	vshra.s32 v58, $0x10;
	v15 =	vshra.s32 v21, $0x10;
	v14 =	vcvt.s32.f32 v29;
	[tilespmem:s7+$0xFFFFFF50] =	vst v8;
	v8 =	vld [tilespmem:s15+$0xFFFFFFE0]  }
0xec: {  	[tilespmem:s7+$0xFFFFFF40] =	vst v22;
	v21 =	vcvt.s32.f32 v16;
	v22 =	vshra.s32 v59, $0x10;
	v12 =	vmul.f32 v24, v27  }
0xed: {  	[tilespmem:s26+$0xFFFFFF60] =	vst v63;
	v16 =	vshll.u32 v18, $0x10;
	v61 =	vcvt.s32.f32 v20;
	v14 =	vmul.f32 v14, v5  }
0xee: {  	[tilespmem:s26+$0x20] =	vst v30;
	v24 =	vmul.f32 v28, v4;
	v20 =	vshra.s32 v16, $0x10;
	v9 =	vmul.f32 v62, v9  }
0xef: {  	s17 =	simm.s32 $0xB080;
	s18 =	simm.s32 $0xD100;
	s16 =	simm.s32 $0x8;
	v16 =	vld [tilespmem:s6+$0xFFFFFFB0];
	v11 =	vmul.f32 v61, v27;
	[tilespmem:s7+$0xF0] =	vst v14;
	v23 =	vshll.u32 v25, $0x10;
	v25 =	vshra.s32 v25, $0x10  }
.LBB2_5:
0xf0: {  	v14 =	vld [tilespmem:s17+$0xFFFFFFA0];
	s16 =	sadd.s32 $0x8, s16;
	v17 =	vmul.f32 v17, v8;
	[tilespmem:s7+$0x0] =	vst v24;
	s15 =	sadd.s32 $0x80, s15;
	s18 =	sadd.s32 $0x200, s18;
	v23 =	vshra.s32 v23, $0x10;
	v24 =	vcvt.s32.f32 v25  }
0xf1: {  	v21 =	vmul.f32 v21, v2;
	v18 =	vshra.s32 v18, $0x10;
	v25 =	vld [tilespmem:s17+$0x20];
	p0 =	slt.u32 s16, $0x78;
	[tilespmem:s26+$0xFFFFFF70] =	vst v13;
	v13 =	vcvt.s32.f32 v23  }
0xf2: {  	v18 =	vcvt.s32.f32 v18;
	[tilespmem:s26+$0xFFFFFF30] =	vst v9;
	v9 =	vmul.f32 v24, v1  }
0xf3: {  	v22 =	vcvt.s32.f32 v22;
	v23 =	vld [tilespmem:s17+$0x60];
	[tilespmem:s26+$0xFFFFFF20] =	vst v19;
	v13 =	vmul.f32 v13, v1;
	v1 =	vmov v7  }
0xf4: {  	v7 =	vcvt.s32.f32 v10;
	v10 =	vmul.f32 v18, v6;
	[tilespmem:s26+$0xFFFFFFF0] =	vst v9  }
0xf5: {  	v15 =	vcvt.s32.f32 v15;
	v9 =	vmul.f32 v22, v8;
	[tilespmem:s7+$0xFFFFFF90] =	vst v17;
	v17 =	vld [tilespmem:s6+$0x10]  }
0xf6: {  	v20 =	vcvt.s32.f32 v20;
	v19 =	vshll.u32 v16, $0x10;
	v7 =	vmul.f32 v7, v1;
	v18 =	vld [tilespmem:s17+$0x40];
	[tilespmem:s26+$0xFFFFFFE0] =	vst v13;
	s26 =	smov.u32 s7;
	s7 =	smov.u32 s18  }
0xf7: {  	v15 =	vmul.f32 v15, v5;
	v19 =	vshra.s32 v19, $0x10;
	v22 =	vld [tilespmem:s17+$0xFFFFFF80];
	[tilespmem:s26+$0xFFFFFF80] =	vst v9  }
0xf8: {  	v6 =	vmul.f32 v20, v6;
	v9 =	vshra.s32 v16, $0x10;
	v5 =	vshll.u32 v23, $0x10;
	[tilespmem:s26+$0xFFFFFF10] =	vst v21;
	v21 =	vld [tilespmem:s6+$0xFFFFFFD0]  }
0xf9: {  	v13 =	vcvt.s32.f32 v9;
	v20 =	vshra.s32 v5, $0x10;
	v5 =	vshra.s32 v23, $0x10;
	v16 =	vld [tilespmem:s6+$0xFFFFFF90];
	[tilespmem:s26+$0xFFFFFFD0] =	vst v7  }
0xfa: {  	v9 =	vld [tilespmem:s15+$0x10];
	v7 =	vcvt.s32.f32 v5;
	v5 =	vshll.u32 v17, $0x10;
	v17 =	vshra.s32 v17, $0x10;
	[tilespmem:s26+$0xA0] =	vst v6  }
0xfb: {  	v23 =	vshra.s32 v14, $0x10;
	v6 =	vshll.u32 v25, $0x10;
	v24 =	vld [tilespmem:s17+$0x0];
	v26 =	vshra.s32 v5, $0x10;
	[tilespmem:s26+$0xB0] =	vst v10  }
0xfc: {  	v25 =	vshra.s32 v25, $0x10;
	v5 =	vshra.s32 v6, $0x10;
	v10 =	vshll.u32 v22, $0x10;
	v6 =	vld [tilespmem:s15+$0x20];
	[tilespmem:s26+$0x60] =	vst v12  }
0xfd: {  	v27 =	vshll.u32 v18, $0x10;
	v12 =	vcvt.s32.f32 v5;
	v5 =	vld [tilespmem:s15+$0x30];
	v28 =	vshra.s32 v21, $0x10;
	[tilespmem:s26+$0xE0] =	vst v15  }
0xfe: {  	v15 =	vcvt.s32.f32 v25;
	v25 =	vshra.s32 v27, $0x10;
	v21 =	vshll.u32 v21, $0x10;
	[tilespmem:s26+$0x70] =	vst v11  }
0xff: {  	v18 =	vshra.s32 v18, $0x10;
	v27 =	vshll.u32 v16, $0x10;
	v11 =	vld [tilespmem:s17+$0xFFFFFFE0];
	v12 =	vmul.f32 v12, v9  }
0x100: {  	v28 =	vcvt.s32.f32 v28;
	v15 =	vmul.f32 v15, v9;
	v29 =	vld [tilespmem:s15+$0xFFFFFFC0];
	v30 =	vshll.u32 v24, $0x10  }
0x101: {  	v20 =	vcvt.s32.f32 v20;
	v26 =	vcvt.s32.f32 v26;
	v10 =	vshra.s32 v10, $0x10;
	v31 =	vld [tilespmem:s17+$0xFFFFFFC0]  }
0x102: {  	v23 =	vcvt.s32.f32 v23;
	v24 =	vshra.s32 v24, $0x10;
	[tilespmem:s18+$0x50] =	vst v15;
	v15 =	vmul.f32 v7, v5  }
0x103: {  	v30 =	vshra.s32 v30, $0x10;
	[tilespmem:s18+$0x40] =	vst v12;
	v12 =	vmul.f32 v20, v5;
	v20 =	vmul.f32 v28, v8  }
0x104: {  	v22 =	vshra.s32 v22, $0x10;
	v10 =	vcvt.s32.f32 v10;
	v25 =	vcvt.s32.f32 v25;
	v28 =	vld [tilespmem:s17+$0x30]  }
0x105: {  	v18 =	vcvt.s32.f32 v18;
	v32 =	vshll.u32 v11, $0x10;
	v7 =	vld [tilespmem:s15+$0xFFFFFFF0];
	[tilespmem:s18+$0xC0] =	vst v12;
	v12 =	vcvt.s32.f32 v17  }
0x106: {  	v33 =	vshll.u32 v31, $0x10;
	v17 =	vshra.s32 v31, $0x10;
	v31 =	vshra.s32 v32, $0x10;
	[tilespmem:s26+$0xFFFFFFB0] =	vst v20  }
0x107: {  	v20 =	vmul.f32 v10, v29;
	v10 =	vshra.s32 v11, $0x10;
	v11 =	vcvt.s32.f32 v31;
	v31 =	vld [tilespmem:s15+$0x0]  }
0x108: {  	v24 =	vcvt.s32.f32 v24;
	v18 =	vmul.f32 v18, v6;
	v32 =	vld [tilespmem:s15+$0xFFFFFFD0];
	[tilespmem:s18+$0xD0] =	vst v15;
	v15 =	vshra.s32 v21, $0x10  }
0x109: {  	v14 =	vshll.u32 v14, $0x10;
	[tilespmem:s18+$0xFFFFFF00] =	vst v20;
	v20 =	vmul.f32 v25, v6;
	v21 =	vld [tilespmem:s17+$0x70];
	v25 =	vmul.f32 v26, v4  }
0x10a: {  	v14 =	vshra.s32 v14, $0x10;
	v15 =	vcvt.s32.f32 v15;
	v11 =	vmul.f32 v11, v7;
	[tilespmem:s18+$0x90] =	vst v18  }
0x10b: {  	v14 =	vcvt.s32.f32 v14;
	v17 =	vcvt.s32.f32 v17;
	v18 =	vshll.u32 v28, $0x10;
	[tilespmem:s18+$0x80] =	vst v20  }
0x10c: {  	v18 =	vshra.s32 v18, $0x10;
	v20 =	vmul.f32 v24, v31;
	v24 =	vmul.f32 v15, v8;
	[tilespmem:s26+$0x20] =	vst v25  }
0x10d: {  	v25 =	vcvt.s32.f32 v19;
	v8 =	vmul.f32 v14, v32;
	v14 =	vshra.s32 v27, $0x10  }
0x10e: {  	[tilespmem:s18+$0x10] =	vst v20;
	v20 =	vcvt.s32.f32 v18;
	v18 =	vld [tilespmem:s17+$0x50];
	v15 =	vshll.u32 v21, $0x10;
	v14 =	vcvt.s32.f32 v14  }
0x10f: {  	v26 =	vshra.s32 v28, $0x10;
	[tilespmem:s18+$0xFFFFFF40] =	vst v8;
	v15 =	vshra.s32 v15, $0x10;
	v8 =	vmul.f32 v12, v4;
	v4 =	vmovc v31  }
0x110: {  	v12 =	vshra.s32 v21, $0x10;
	[tilespmem:s18+$0xFFFFFFC0] =	vst v11;
	v11 =	vcvt.s32.f32 v30;
	v19 =	vmul.f32 v14, v2;
	v14 =	vld [tilespmem:s6+$0xFFFFFFF0];
	s6 =	smov.u32 s17  }
0x111: {  	v21 =	vcvt.s32.f32 v22;
	v22 =	vshra.s32 v33, $0x10;
	v12 =	vcvt.s32.f32 v12;
	[tilespmem:s26+$0x30] =	vst v8  }
.Ltmp3:
0x112: {  	v16 =	vshra.s32 v16, $0x10;
	v26 =	vcvt.s32.f32 v26;
	v23 =	vmul.f32 v23, v32;
	v8 =	vld [tilespmem:s15+$0xFFFFFFE0];
	[tilespmem:s26+$0xFFFFFFA0] =	vst v24;
	(pc) =	sbr.rel @p0 .LBB2_5-.Ltmp3, $4  }
0x113: {  	v28 =	vcvt.s32.f32 v16;
	v27 =	vmul.f32 v12, v5;
	v24 =	vshll.u32 v18, $0x10  }
0x114: {  	v25 =	vmul.f32 v25, v3;
	v12 =	vmul.f32 v20, v9;
	[tilespmem:s18+$0xFFFFFF50] =	vst v23;
	v20 =	vshra.s32 v24, $0x10  }
0x115: {  	v13 =	vmul.f32 v13, v3;
	v3 =	vmovc v32;
	v24 =	vmul.f32 v11, v4;
	v16 =	vld [tilespmem:s17+$0xFFFFFFB0];
	[tilespmem:s18+$0xF0] =	vst v27;
	v23 =	vshll.u32 v14, $0x10  }
0x116: {  	v11 =	vmul.f32 v26, v9;
	v9 =	vmul.f32 v28, v2;
	v2 =	vmovc v29;
	s17 =	sadd.s32 $0x100, s17;
	[tilespmem:s26+$0xFFFFFF60] =	vst v25;
	v25 =	vshra.s32 v14, $0x10  }
0x117: {  	[tilespmem:s7+$0x0] =	vst v24;
	v14 =	vcvt.s32.f32 v22  }
0x118: {  	v17 =	vmul.f32 v17, v8;
	[tilespmem:s26+$0xFFFFFF70] =	vst v13  }
0x119: {  	v13 =	vshra.s32 v23, $0x10;
	v22 =	vcvt.s32.f32 v25;
	[tilespmem:s26+$0xFFFFFF30] =	vst v9;
	v9 =	vmul.f32 v14, v8  }
0x11a: {  	v13 =	vcvt.s32.f32 v13;
	[tilespmem:s7+$0xFFFFFF90] =	vst v17  }
0x11b: {  	v14 =	vmul.f32 v21, v2;
	v17 =	vmul.f32 v22, v1;
	v21 =	vld [tilespmem:s6+$0x10];
	[tilespmem:s7+$0xFFFFFF80] =	vst v9  }
0x11c: {  	[tilespmem:s26+$0xFFFFFF20] =	vst v19;
	v10 =	vcvt.s32.f32 v10;
	v1 =	vmul.f32 v13, v1;
	v13 =	vld [tilespmem:s6+$0xFFFFFFD0]  }
0x11d: {  	v15 =	vcvt.s32.f32 v15;
	v9 =	vshra.s32 v18, $0x10;
	[tilespmem:s26+$0xFFFFFFF0] =	vst v17;
	v17 =	vcvt.s32.f32 v20  }
0x11e: {  	v10 =	vmul.f32 v10, v7;
	v9 =	vcvt.s32.f32 v9;
	[tilespmem:s26+$0xFFFFFFE0] =	vst v1;
	v1 =	vshll.u32 v16, $0x10  }
0x11f: {  	v5 =	vmul.f32 v15, v5;
	[tilespmem:s7+$0xFFFFFF10] =	vst v14;
	v14 =	vmul.f32 v17, v6;
	v1 =	vshra.s32 v1, $0x10  }
0x120: {  	[tilespmem:s7+$0xFFFFFFD0] =	vst v10;
	v6 =	vmul.f32 v9, v6;
	v1 =	vcvt.s32.f32 v1  }
0x121: {  	v10 =	vshra.s32 v16, $0x10;
	v15 =	vshll.u32 v21, $0x10;
	[tilespmem:s7+$0xA0] =	vst v14;
	v14 =	vshra.s32 v13, $0x10  }
0x122: {  	v9 =	vld [tilespmem:s6+$0xFFFFFF90];
	v15 =	vshra.s32 v15, $0x10;
	[tilespmem:s7+$0xB0] =	vst v6;
	v1 =	vmul.f32 v1, v3;
	v6 =	vcvt.s32.f32 v14  }
0x123: {  	[tilespmem:s7+$0x60] =	vst v12;
	v12 =	vshll.u32 v13, $0x10;
	v13 =	vcvt.s32.f32 v15;
	v14 =	vshra.s32 v21, $0x10  }
0x124: {  	[tilespmem:s7+$0xE0] =	vst v5;
	v12 =	vshra.s32 v12, $0x10;
	v5 =	vmul.f32 v6, v8;
	v6 =	vcvt.s32.f32 v14;
	v14 =	vld [tilespmem:s6+$0xFFFFFFF0]  }
0x125: {  	[tilespmem:s7+$0x70] =	vst v11;
	v10 =	vcvt.s32.f32 v10;
	v12 =	vcvt.s32.f32 v12  }
0x126: {  	[tilespmem:s7+$0xFFFFFF60] =	vst v1;
	v13 =	vmul.f32 v13, v4;
	v4 =	vmul.f32 v6, v4  }
0x127: {  	v11 =	vshll.u32 v9, $0x10;
	[tilespmem:s7+$0xFFFFFFB0] =	vst v5;
	v6 =	vmul.f32 v12, v8;
	v8 =	vshra.s32 v9, $0x10  }
0x128: {  	v3 =	vmul.f32 v10, v3;
	v5 =	vshra.s32 v11, $0x10;
	[tilespmem:s7+$0x30] =	vst v4;
	v4 =	vcvt.s32.f32 v8  }
0x129: {  	v5 =	vcvt.s32.f32 v5;
	[tilespmem:s7+$0xFFFFFFA0] =	vst v6;
	v6 =	vshll.u32 v14, $0x10;
	v8 =	vshra.s32 v14, $0x10  }
0x12a: {  	[tilespmem:s7+$0xFFFFFF70] =	vst v3;
	v4 =	vmul.f32 v4, v2;
	v1 =	vshra.s32 v6, $0x10;
	v6 =	vcvt.s32.f32 v8  }
0x12b: {  	[tilespmem:s7+$0x20] =	vst v13;
	v2 =	vmul.f32 v5, v2;
	v1 =	vcvt.s32.f32 v1  }
0x12c: {  	[tilespmem:s7+$0xFFFFFF30] =	vst v4;
	v3 =	vmul.f32 v6, v7  }
0x12d: {  	s18 =	sshll.u32 s23, $0x8;
	[tilespmem:s7+$0xFFFFFF20] =	vst v2;
	v1 =	vmul.f32 v1, v7  }
0x12e: {  	p0 =	seq.s32 s23, $0x4E;
	s28 =	sand.u32 $0x3FFFFF00, s18;
	[tilespmem:s7+$0xFFFFFFF0] =	vst v3  }
0x12f: {  	s15 =	simm.s32 @!p0 $0x80;
	s26 =	sshll.u32 s23, $0x1;
	s6 =	sadd.s32 $0x4F00, s28;
	[tilespmem:s7+$0xFFFFFFE0] =	vst v1  }
0x130: {  	[spmem:s3] =	stream.indirect.scatter.add.f32 [tilespmem:s24], [sflag:$0x3], $0x40, s6, s25, $0xb8;
	[tilespmem:$0x18E00] =	vst v63  }
0x131: {  	s16 =	simm.s32 @!p0 $0xAE00;
	s6 =	sadd.s32 @!p0 $0x2, s26;
	_ =	swait.ge [sflag:s22], $0x2000  }
0x132: {  	s7 =	sshll.u32 @!p0 s6, $0x7;
	s6 =	sadd.s32 @!p0 s13, s6;
	[sflag:s22] =	ssyncset.done $0x0  }
0x133: {  	s7 =	sand.u32 @!p0 $0x3FFFFF80, s7;
	s6 =	sshll.u32 @!p0 s6, $0x8;
	[sflag:s22] =	ssyncadd.s32 $0xFFFFE000  }
0x134: {  	[tilespmem:s16], [sflag:$0x1] =	stream.indirect.gather @!p0 [hbm4b:s2+s15], $0x20, s7, s15, $0xb8;
	[tilespmem:$0x18E00] =	vst v63  }
0x135: {  	s6 =	sadd.s32 @!p0 s5, s6;
	s7 =	simm.s32 @!p0 $0x0;
	s15 =	simm.s32 @!p0 $0x9E00  }
0x136: {  	[tilespmem:s15], [sflag:$0x1] =	stream.linear.gather @!p0 [hbm4b:s6+s7], $0x800, $0x38;
	[tilespmem:$0x18E00] =	vst v63  }
0x137: {  	_ =	swait.ge [sflag:s1], $0x1000  }
0x138: {  	[sflag:s1] =	ssyncset.done $0x0  }
0x139: {  	[sflag:s1] =	ssyncadd.s32 $0xFFFFF000  }
0x13a: {  	_ =	swait.ge [sflag:s1], $0x800  }
0x13b: {  	[sflag:s1] =	ssyncset.done $0x0  }
0x13c: {  	s17 =	simm.s32 $0xBE80;
	[sflag:s1] =	ssyncadd.s32 $0xFFFFF800  }
0x13d: {  	v1 =	vld [tilespmem:s17+$0x20]  }
0x13e: {  	v2 =	vld [tilespmem:s17+$0xFFFFFFA0]  }
0x13f: {  	v3 =	vld [tilespmem:s17+$0x60]  }
0x140: {  	v6 =	vld [tilespmem:s17+$0xFFFFFF80]  }
0x141: {  	v5 =	vld [tilespmem:s17+$0x40]  }
0x142: {  	v14 =	vld [tilespmem:s17+$0xFFFFFFE0]  }
0x143: {  	s19 =	simm.s32 $0xA640  }
0x144: {  	v4 =	vld [tilespmem:s19+$0x10];
	v7 =	vshll.u32 v1, $0x10;
	v1 =	vshra.s32 v1, $0x10;
	v9 =	vshll.u32 v3, $0x10  }
0x145: {  	v8 =	vld [tilespmem:s17+$0x0];
	v3 =	vshra.s32 v3, $0x10;
	v11 =	vshra.s32 v2, $0x10;
	v12 =	vshll.u32 v6, $0x10  }
0x146: {  	v10 =	vld [tilespmem:s19+$0x30];
	v15 =	vshll.u32 v5, $0x10;
	v5 =	vshra.s32 v5, $0x10;
	v6 =	vshra.s32 v6, $0x10  }
0x147: {  	v13 =	vld [tilespmem:s19+$0x20];
	v20 =	vshll.u32 v14, $0x10;
	v2 =	vshll.u32 v2, $0x10;
	v1 =	vcvt.s32.f32 v1  }
0x148: {  	s7 =	simm.s32 $0xBF80;
	v16 =	vld [tilespmem:s17+$0xFFFFFFC0];
	v14 =	vshra.s32 v14, $0x10;
	v7 =	vshra.s32 v7, $0x10;
	v3 =	vcvt.s32.f32 v3  }
0x149: {  	v25 =	vld [tilespmem:s7+$0xFFFFFF80];
	v9 =	vshra.s32 v9, $0x10;
	v7 =	vcvt.s32.f32 v7;
	v1 =	vmul.f32 v1, v4  }
0x14a: {  	s6 =	simm.s32 $0xCF00;
	v28 =	vld [tilespmem:s7+$0x0];
	v15 =	vshra.s32 v15, $0x10;
	v18 =	vcvt.s32.f32 v11;
	v17 =	vcvt.s32.f32 v9  }
0x14b: {  	v5 =	vcvt.s32.f32 v5;
	v9 =	vld [tilespmem:s19+$0xFFFFFFC0];
	v7 =	vmul.f32 v7, v4;
	[tilespmem:s6+$0x50] =	vst v1;
	v1 =	vshll.u32 v8, $0x10  }
0x14c: {  	v6 =	vcvt.s32.f32 v6;
	v11 =	vmul.f32 v17, v10;
	v19 =	vshra.s32 v1, $0x10;
	v1 =	vld [tilespmem:s19+$0xFFFFFFF0]  }
0x14d: {  	v14 =	vcvt.s32.f32 v14;
	[tilespmem:s6+$0x40] =	vst v7;
	v7 =	vshra.s32 v12, $0x10;
	v12 =	vshra.s32 v8, $0x10;
	v8 =	vld [tilespmem:s19+$0x0]  }
0x14e: {  	v2 =	vshra.s32 v2, $0x10;
	v15 =	vcvt.s32.f32 v15;
	v3 =	vmul.f32 v3, v10;
	[tilespmem:s6+$0xC0] =	vst v11;
	v11 =	vld [tilespmem:s19+$0xFFFFFFD0]  }
0x14f: {  	v21 =	vshll.u32 v16, $0x10;
	v2 =	vcvt.s32.f32 v2;
	v5 =	vmul.f32 v5, v13;
	v17 =	vld [tilespmem:s17+$0x30]  }
0x150: {  	v15 =	vmul.f32 v15, v13;
	[tilespmem:s6+$0xD0] =	vst v3;
	v3 =	vshra.s32 v16, $0x10;
	v16 =	vshra.s32 v20, $0x10  }
0x151: {  	v16 =	vcvt.s32.f32 v16;
	v7 =	vcvt.s32.f32 v7;
	v20 =	vld [tilespmem:s17+$0x70]  }
0x152: {  	v31 =	vshll.u32 v25, $0x10;
	v3 =	vcvt.s32.f32 v3;
	v12 =	vcvt.s32.f32 v12  }
0x153: {  	v34 =	vshll.u32 v28, $0x10;
	[tilespmem:s6+$0x90] =	vst v5;
	v7 =	vmul.f32 v7, v9;
	v16 =	vmul.f32 v16, v1  }
0x154: {  	[tilespmem:s6+$0x80] =	vst v15;
	v5 =	vmul.f32 v12, v8;
	v2 =	vmul.f32 v2, v11;
	v22 =	vshll.u32 v17, $0x10  }
0x155: {  	v23 =	vld [tilespmem:s17+$0x50];
	v18 =	vmul.f32 v18, v11;
	v14 =	vmul.f32 v14, v1;
	v12 =	vshra.s32 v22, $0x10  }
0x156: {  	v24 =	vld [tilespmem:s7+$0xFFFFFFA0];
	v22 =	vshra.s32 v20, $0x10;
	[tilespmem:s6+$0xFFFFFF40] =	vst v2;
	v2 =	vshra.s32 v17, $0x10;
	v17 =	vcvt.s32.f32 v19  }
0x157: {  	v19 =	vshll.u32 v20, $0x10;
	[tilespmem:s6+$0xFFFFFF50] =	vst v18;
	v15 =	vcvt.s32.f32 v12;
	v12 =	vld [tilespmem:s19+$0xFFFFFFE0];
	v22 =	vcvt.s32.f32 v22  }
0x158: {  	v2 =	vcvt.s32.f32 v2;
	v18 =	vshra.s32 v19, $0x10;
	v19 =	vld [tilespmem:s17+$0xFFFFFFB0];
	v17 =	vmul.f32 v17, v8  }
0x159: {  	v21 =	vshra.s32 v21, $0x10;
	[tilespmem:s6+$0x10] =	vst v5;
	v18 =	vcvt.s32.f32 v18;
	v20 =	vmul.f32 v22, v10  }
0x15a: {  	v5 =	vld [tilespmem:s7+$0x60];
	[tilespmem:s6+$0xFFFFFFD0] =	vst v14;
	v15 =	vmul.f32 v15, v4;
	v22 =	vmul.f32 v2, v4;
	v4 =	vshra.s32 v23, $0x10  }
0x15b: {  	v57 =	vshra.s32 v34, $0x10;
	v14 =	vld [tilespmem:s7+$0xFFFFFFE0];
	[tilespmem:s6+$0x0] =	vst v17;
	v4 =	vcvt.s32.f32 v4;
	v10 =	vmul.f32 v18, v10  }
0x15c: {  	v17 =	vld [tilespmem:s7+$0x20];
	[tilespmem:s6+$0x70] =	vst v22;
	v22 =	vshll.u32 v24, $0x10;
	v2 =	vmul.f32 v3, v12;
	v3 =	vmul.f32 v6, v9  }
0x15d: {  	[tilespmem:s6+$0xFFFFFF00] =	vst v7;
	v6 =	vcvt.s32.f32 v21;
	v21 =	vshll.u32 v23, $0x10;
	v23 =	vshll.u32 v19, $0x10  }
0x15e: {  	[tilespmem:s6+$0xFFFFFFC0] =	vst v16;
	v4 =	vmul.f32 v4, v13;
	v7 =	vshra.s32 v21, $0x10;
	v23 =	vshra.s32 v23, $0x10  }
0x15f: {  	s16 =	simm.s32 $0xA6C0;
	v21 =	vld [tilespmem:s17+$0x10];
	v6 =	vmul.f32 v6, v12;
	v7 =	vcvt.s32.f32 v7;
	[tilespmem:s6+$0xFFFFFF10] =	vst v3;
	v3 =	vshra.s32 v19, $0x10  }
0x160: {  	v27 =	vld [tilespmem:s16+$0x10];
	[tilespmem:s6+$0xE0] =	vst v10;
	v10 =	vshra.s32 v14, $0x10;
	v23 =	vcvt.s32.f32 v23;
	v26 =	vcvt.s32.f32 v3  }
0x161: {  	v56 =	vld [tilespmem:s7+$0xFFFFFFC0];
	v29 =	vshll.u32 v17, $0x10;
	v17 =	vshra.s32 v17, $0x10;
	[tilespmem:s6+$0xFFFFFF80] =	vst v6;
	v6 =	vshll.u32 v5, $0x10  }
0x162: {  	[tilespmem:s6+$0xFFFFFF90] =	vst v2;
	v2 =	vld [tilespmem:s7+$0x40];
	v7 =	vmul.f32 v7, v13;
	v5 =	vshra.s32 v5, $0x10;
	v16 =	vcvt.s32.f32 v17  }
0x163: {  	v63 =	vmul.f32 v23, v11;
	v6 =	vshra.s32 v6, $0x10;
	v3 =	vcvt.s32.f32 v5  }
0x164: {  	v5 =	vshll.u32 v21, $0x10;
	v19 =	vshra.s32 v21, $0x10;
	v21 =	vshra.s32 v24, $0x10  }
0x165: {  	v16 =	vmul.f32 v16, v27;
	[tilespmem:s6+$0xA0] =	vst v7;
	v7 =	vshra.s32 v31, $0x10;
	v35 =	vcvt.s32.f32 v6  }
0x166: {  	v13 =	vld [tilespmem:s17+$0xFFFFFF90];
	v31 =	vshra.s32 v56, $0x10;
	v30 =	vshra.s32 v5, $0x10;
	v5 =	vshra.s32 v29, $0x10  }
0x167: {  	v32 =	vshll.u32 v2, $0x10;
	v54 =	vshra.s32 v2, $0x10;
	v36 =	vcvt.s32.f32 v21  }
0x168: {  	v18 =	vld [tilespmem:s17+$0xFFFFFFD0];
	v21 =	vshra.s32 v28, $0x10;
	v19 =	vcvt.s32.f32 v19;
	v28 =	vcvt.s32.f32 v57  }
0x169: {  	s15 =	simm.s32 $0xD100;
	v29 =	vcvt.s32.f32 v5;
	v5 =	vld [tilespmem:s16+$0x30];
	v17 =	vshra.s32 v32, $0x10;
	v30 =	vcvt.s32.f32 v30  }
0x16a: {  	v6 =	vld [tilespmem:s16+$0x20];
	[tilespmem:s15+$0x50] =	vst v16;
	v16 =	vshra.s32 v25, $0x10;
	v25 =	vcvt.s32.f32 v7;
	v17 =	vcvt.s32.f32 v17  }
0x16b: {  	[tilespmem:s6+$0xF0] =	vst v20;
	v55 =	vshll.u32 v13, $0x10;
	v20 =	vmul.f32 v29, v27;
	v29 =	vcvt.s32.f32 v54  }
0x16c: {  	[tilespmem:s6+$0x60] =	vst v15;
	v2 =	vld [tilespmem:s16+$0xFFFFFFC0];
	v13 =	vshra.s32 v13, $0x10;
	v30 =	vmul.f32 v30, v8;
	v8 =	vmul.f32 v19, v8  }
0x16d: {  	[tilespmem:s6+$0xB0] =	vst v4;
	v33 =	vshra.s32 v18, $0x10;
	v62 =	vcvt.s32.f32 v13;
	v13 =	vmul.f32 v26, v11  }
0x16e: {  	v7 =	vld [tilespmem:s16+$0xFFFFFFF0];
	v18 =	vshll.u32 v18, $0x10;
	v33 =	vcvt.s32.f32 v33;
	[tilespmem:s15+$0x40] =	vst v20;
	v3 =	vmul.f32 v3, v5  }
0x16f: {  	v18 =	vshra.s32 v18, $0x10;
	v24 =	vmul.f32 v17, v6;
	[tilespmem:s6+$0x30] =	vst v8;
	v4 =	vmul.f32 v35, v5;
	v58 =	vld [tilespmem:s7+$0x30]  }
0x170: {  	v17 =	vcvt.s32.f32 v31;
	v20 =	vshll.u32 v14, $0x10;
	v15 =	vmul.f32 v33, v12;
	[tilespmem:s15+$0xD0] =	vst v3;
	v3 =	vld [tilespmem:s16+$0xFFFFFFD0]  }
0x171: {  	v25 =	vmul.f32 v25, v2;
	v18 =	vcvt.s32.f32 v18;
	v20 =	vshra.s32 v20, $0x10;
	[tilespmem:s15+$0xC0] =	vst v4;
	v4 =	vld [tilespmem:s16+$0x0]  }
0x172: {  	v14 =	vcvt.s32.f32 v20;
	v20 =	vcvt.s32.f32 v21;
	[tilespmem:s6+$0xFFFFFFB0] =	vst v15;
	v15 =	vshra.s32 v22, $0x10  }
0x173: {  	[tilespmem:s15+$0x80] =	vst v24;
	v21 =	vmul.f32 v29, v6;
	v60 =	vld [tilespmem:s7+$0x70];
	v15 =	vcvt.s32.f32 v15  }
0x174: {  	[tilespmem:s15+$0xFFFFFF00] =	vst v25;
	v12 =	vmul.f32 v18, v12;
	v14 =	vmul.f32 v14, v7;
	v22 =	vshll.u32 v58, $0x10  }
0x175: {  	[tilespmem:s15+$0x90] =	vst v21;
	v21 =	vshra.s32 v22, $0x10;
	v22 =	vmul.f32 v15, v3;
	v15 =	vshra.s32 v55, $0x10  }
0x176: {  	[tilespmem:s6+$0xFFFFFFA0] =	vst v12;
	v18 =	vld [tilespmem:s7+$0x50];
	v20 =	vmul.f32 v20, v4;
	v25 =	vcvt.s32.f32 v15  }
0x177: {  	v59 =	vshll.u32 v56, $0x10;
	[tilespmem:s15+$0xFFFFFFC0] =	vst v14;
	v24 =	vcvt.s32.f32 v21;
	v8 =	vmul.f32 v36, v3  }
0x178: {  	v21 =	vshll.u32 v60, $0x10;
	v29 =	vshra.s32 v60, $0x10;
	[tilespmem:s15+$0x10] =	vst v20;
	v19 =	vmul.f32 v25, v9;
	v25 =	vld [tilespmem:s17+$0xFFFFFFF0]  }
0x179: {  	v20 =	vshra.s32 v58, $0x10;
	v15 =	vshra.s32 v21, $0x10;
	v14 =	vcvt.s32.f32 v29;
	[tilespmem:s15+$0xFFFFFF50] =	vst v8;
	v8 =	vld [tilespmem:s16+$0xFFFFFFE0]  }
0x17a: {  	[tilespmem:s15+$0xFFFFFF40] =	vst v22;
	v21 =	vcvt.s32.f32 v16;
	v22 =	vshra.s32 v59, $0x10;
	v12 =	vmul.f32 v24, v27  }
0x17b: {  	[tilespmem:s6+$0xFFFFFF60] =	vst v63;
	v16 =	vshll.u32 v18, $0x10;
	v61 =	vcvt.s32.f32 v20;
	v14 =	vmul.f32 v14, v5  }
0x17c: {  	[tilespmem:s6+$0x20] =	vst v30;
	v24 =	vmul.f32 v28, v4;
	v20 =	vshra.s32 v16, $0x10;
	v9 =	vmul.f32 v62, v9  }
0x17d: {  	s18 =	simm.s32 $0xC080;
	s19 =	simm.s32 $0xD100;
	s17 =	simm.s32 $0x8;
	v16 =	vld [tilespmem:s7+$0xFFFFFFB0];
	v11 =	vmul.f32 v61, v27;
	[tilespmem:s15+$0xF0] =	vst v14;
	v23 =	vshll.u32 v25, $0x10;
	v25 =	vshra.s32 v25, $0x10  }
.LBB2_7:
0x17e: {  	v14 =	vld [tilespmem:s18+$0xFFFFFFA0];
	s17 =	sadd.s32 $0x8, s17;
	v17 =	vmul.f32 v17, v8;
	[tilespmem:s15+$0x0] =	vst v24;
	s16 =	sadd.s32 $0x80, s16;
	s19 =	sadd.s32 $0x200, s19;
	v23 =	vshra.s32 v23, $0x10;
	v24 =	vcvt.s32.f32 v25  }
0x17f: {  	v21 =	vmul.f32 v21, v2;
	v18 =	vshra.s32 v18, $0x10;
	v25 =	vld [tilespmem:s18+$0x20];
	p1 =	slt.u32 s17, $0x78;
	[tilespmem:s6+$0xFFFFFF70] =	vst v13;
	v13 =	vcvt.s32.f32 v23  }
0x180: {  	v18 =	vcvt.s32.f32 v18;
	[tilespmem:s6+$0xFFFFFF30] =	vst v9;
	v9 =	vmul.f32 v24, v1  }
0x181: {  	v22 =	vcvt.s32.f32 v22;
	v23 =	vld [tilespmem:s18+$0x60];
	[tilespmem:s6+$0xFFFFFF20] =	vst v19;
	v13 =	vmul.f32 v13, v1;
	v1 =	vmov v7  }
0x182: {  	v7 =	vcvt.s32.f32 v10;
	v10 =	vmul.f32 v18, v6;
	[tilespmem:s6+$0xFFFFFFF0] =	vst v9  }
0x183: {  	v15 =	vcvt.s32.f32 v15;
	v9 =	vmul.f32 v22, v8;
	[tilespmem:s15+$0xFFFFFF90] =	vst v17;
	v17 =	vld [tilespmem:s7+$0x10]  }
0x184: {  	v20 =	vcvt.s32.f32 v20;
	v19 =	vshll.u32 v16, $0x10;
	v7 =	vmul.f32 v7, v1;
	v18 =	vld [tilespmem:s18+$0x40];
	[tilespmem:s6+$0xFFFFFFE0] =	vst v13;
	s6 =	smov.u32 s15;
	s15 =	smov.u32 s19  }
0x185: {  	v15 =	vmul.f32 v15, v5;
	v19 =	vshra.s32 v19, $0x10;
	v22 =	vld [tilespmem:s18+$0xFFFFFF80];
	[tilespmem:s6+$0xFFFFFF80] =	vst v9  }
0x186: {  	v6 =	vmul.f32 v20, v6;
	v9 =	vshra.s32 v16, $0x10;
	v5 =	vshll.u32 v23, $0x10;
	[tilespmem:s6+$0xFFFFFF10] =	vst v21;
	v21 =	vld [tilespmem:s7+$0xFFFFFFD0]  }
0x187: {  	v13 =	vcvt.s32.f32 v9;
	v20 =	vshra.s32 v5, $0x10;
	v5 =	vshra.s32 v23, $0x10;
	v16 =	vld [tilespmem:s7+$0xFFFFFF90];
	[tilespmem:s6+$0xFFFFFFD0] =	vst v7  }
0x188: {  	v9 =	vld [tilespmem:s16+$0x10];
	v7 =	vcvt.s32.f32 v5;
	v5 =	vshll.u32 v17, $0x10;
	v17 =	vshra.s32 v17, $0x10;
	[tilespmem:s6+$0xA0] =	vst v6  }
0x189: {  	v23 =	vshra.s32 v14, $0x10;
	v6 =	vshll.u32 v25, $0x10;
	v24 =	vld [tilespmem:s18+$0x0];
	v26 =	vshra.s32 v5, $0x10;
	[tilespmem:s6+$0xB0] =	vst v10  }
0x18a: {  	v25 =	vshra.s32 v25, $0x10;
	v5 =	vshra.s32 v6, $0x10;
	v10 =	vshll.u32 v22, $0x10;
	v6 =	vld [tilespmem:s16+$0x20];
	[tilespmem:s6+$0x60] =	vst v12  }
0x18b: {  	v27 =	vshll.u32 v18, $0x10;
	v12 =	vcvt.s32.f32 v5;
	v5 =	vld [tilespmem:s16+$0x30];
	v28 =	vshra.s32 v21, $0x10;
	[tilespmem:s6+$0xE0] =	vst v15  }
0x18c: {  	v15 =	vcvt.s32.f32 v25;
	v25 =	vshra.s32 v27, $0x10;
	v21 =	vshll.u32 v21, $0x10;
	[tilespmem:s6+$0x70] =	vst v11  }
0x18d: {  	v18 =	vshra.s32 v18, $0x10;
	v27 =	vshll.u32 v16, $0x10;
	v11 =	vld [tilespmem:s18+$0xFFFFFFE0];
	v12 =	vmul.f32 v12, v9  }
0x18e: {  	v28 =	vcvt.s32.f32 v28;
	v15 =	vmul.f32 v15, v9;
	v29 =	vld [tilespmem:s16+$0xFFFFFFC0];
	v30 =	vshll.u32 v24, $0x10  }
0x18f: {  	v20 =	vcvt.s32.f32 v20;
	v26 =	vcvt.s32.f32 v26;
	v10 =	vshra.s32 v10, $0x10;
	v31 =	vld [tilespmem:s18+$0xFFFFFFC0]  }
0x190: {  	v23 =	vcvt.s32.f32 v23;
	v24 =	vshra.s32 v24, $0x10;
	[tilespmem:s19+$0x50] =	vst v15;
	v15 =	vmul.f32 v7, v5  }
0x191: {  	v30 =	vshra.s32 v30, $0x10;
	[tilespmem:s19+$0x40] =	vst v12;
	v12 =	vmul.f32 v20, v5;
	v20 =	vmul.f32 v28, v8  }
0x192: {  	v22 =	vshra.s32 v22, $0x10;
	v10 =	vcvt.s32.f32 v10;
	v25 =	vcvt.s32.f32 v25;
	v28 =	vld [tilespmem:s18+$0x30]  }
0x193: {  	v18 =	vcvt.s32.f32 v18;
	v32 =	vshll.u32 v11, $0x10;
	v7 =	vld [tilespmem:s16+$0xFFFFFFF0];
	[tilespmem:s19+$0xC0] =	vst v12;
	v12 =	vcvt.s32.f32 v17  }
0x194: {  	v33 =	vshll.u32 v31, $0x10;
	v17 =	vshra.s32 v31, $0x10;
	v31 =	vshra.s32 v32, $0x10;
	[tilespmem:s6+$0xFFFFFFB0] =	vst v20  }
0x195: {  	v20 =	vmul.f32 v10, v29;
	v10 =	vshra.s32 v11, $0x10;
	v11 =	vcvt.s32.f32 v31;
	v31 =	vld [tilespmem:s16+$0x0]  }
0x196: {  	v24 =	vcvt.s32.f32 v24;
	v18 =	vmul.f32 v18, v6;
	v32 =	vld [tilespmem:s16+$0xFFFFFFD0];
	[tilespmem:s19+$0xD0] =	vst v15;
	v15 =	vshra.s32 v21, $0x10  }
0x197: {  	v14 =	vshll.u32 v14, $0x10;
	[tilespmem:s19+$0xFFFFFF00] =	vst v20;
	v20 =	vmul.f32 v25, v6;
	v21 =	vld [tilespmem:s18+$0x70];
	v25 =	vmul.f32 v26, v4  }
0x198: {  	v14 =	vshra.s32 v14, $0x10;
	v15 =	vcvt.s32.f32 v15;
	v11 =	vmul.f32 v11, v7;
	[tilespmem:s19+$0x90] =	vst v18  }
0x199: {  	v14 =	vcvt.s32.f32 v14;
	v17 =	vcvt.s32.f32 v17;
	v18 =	vshll.u32 v28, $0x10;
	[tilespmem:s19+$0x80] =	vst v20  }
0x19a: {  	v18 =	vshra.s32 v18, $0x10;
	v20 =	vmul.f32 v24, v31;
	v24 =	vmul.f32 v15, v8;
	[tilespmem:s6+$0x20] =	vst v25  }
0x19b: {  	v25 =	vcvt.s32.f32 v19;
	v8 =	vmul.f32 v14, v32;
	v14 =	vshra.s32 v27, $0x10  }
0x19c: {  	[tilespmem:s19+$0x10] =	vst v20;
	v20 =	vcvt.s32.f32 v18;
	v18 =	vld [tilespmem:s18+$0x50];
	v15 =	vshll.u32 v21, $0x10;
	v14 =	vcvt.s32.f32 v14  }
0x19d: {  	v26 =	vshra.s32 v28, $0x10;
	[tilespmem:s19+$0xFFFFFF40] =	vst v8;
	v15 =	vshra.s32 v15, $0x10;
	v8 =	vmul.f32 v12, v4;
	v4 =	vmovc v31  }
0x19e: {  	v12 =	vshra.s32 v21, $0x10;
	[tilespmem:s19+$0xFFFFFFC0] =	vst v11;
	v11 =	vcvt.s32.f32 v30;
	v19 =	vmul.f32 v14, v2;
	v14 =	vld [tilespmem:s7+$0xFFFFFFF0];
	s7 =	smov.u32 s18  }
0x19f: {  	v21 =	vcvt.s32.f32 v22;
	v22 =	vshra.s32 v33, $0x10;
	v12 =	vcvt.s32.f32 v12;
	[tilespmem:s6+$0x30] =	vst v8  }
.Ltmp4:
0x1a0: {  	v16 =	vshra.s32 v16, $0x10;
	v26 =	vcvt.s32.f32 v26;
	v23 =	vmul.f32 v23, v32;
	v8 =	vld [tilespmem:s16+$0xFFFFFFE0];
	[tilespmem:s6+$0xFFFFFFA0] =	vst v24;
	(pc) =	sbr.rel @p1 .LBB2_7-.Ltmp4, $4  }
0x1a1: {  	v28 =	vcvt.s32.f32 v16;
	v27 =	vmul.f32 v12, v5;
	v24 =	vshll.u32 v18, $0x10  }
0x1a2: {  	v25 =	vmul.f32 v25, v3;
	v12 =	vmul.f32 v20, v9;
	[tilespmem:s19+$0xFFFFFF50] =	vst v23;
	v20 =	vshra.s32 v24, $0x10  }
0x1a3: {  	v13 =	vmul.f32 v13, v3;
	v3 =	vmovc v32;
	v24 =	vmul.f32 v11, v4;
	v16 =	vld [tilespmem:s18+$0xFFFFFFB0];
	[tilespmem:s19+$0xF0] =	vst v27;
	v23 =	vshll.u32 v14, $0x10  }
0x1a4: {  	v11 =	vmul.f32 v26, v9;
	v9 =	vmul.f32 v28, v2;
	v2 =	vmovc v29;
	s18 =	sadd.s32 $0x100, s18;
	[tilespmem:s6+$0xFFFFFF60] =	vst v25;
	v25 =	vshra.s32 v14, $0x10  }
0x1a5: {  	[tilespmem:s15+$0x0] =	vst v24  }
0x1a6: {  	v14 =	vcvt.s32.f32 v22;
	[tilespmem:s6+$0xFFFFFF70] =	vst v13  }
0x1a7: {  	v17 =	vmul.f32 v17, v8;
	v34 =	vcvt.s32.f32 v25;
	[tilespmem:s6+$0xFFFFFF20] =	vst v19  }
0x1a8: {  	v33 =	vshra.s32 v23, $0x10;
	v36 =	vmul.f32 v21, v2;
	v10 =	vcvt.s32.f32 v10;
	[tilespmem:s15+$0x60] =	vst v12  }
0x1a9: {  	v39 =	vshra.s32 v18, $0x10;
	v41 =	vcvt.s32.f32 v20;
	v15 =	vcvt.s32.f32 v15;
	[tilespmem:s6+$0xFFFFFF30] =	vst v9  }
0x1aa: {  	v13 =	vcvt.s32.f32 v33;
	v38 =	vld [tilespmem:s7+$0x10];
	v9 =	vcvt.s32.f32 v39;
	[tilespmem:s15+$0x70] =	vst v11  }
0x1ab: {  	v35 =	vmul.f32 v14, v8;
	[tilespmem:s15+$0xFFFFFF90] =	vst v17;
	v37 =	vmul.f32 v34, v1  }
0x1ac: {  	v10 =	vmul.f32 v10, v7;
	[tilespmem:s15+$0xFFFFFF10] =	vst v36;
	v42 =	vmul.f32 v41, v6  }
0x1ad: {  	v5 =	vmul.f32 v15, v5;
	v1 =	vmul.f32 v13, v1;
	v44 =	vld [tilespmem:s7+$0xFFFFFF90];
	v45 =	vshra.s32 v16, $0x10;
	[tilespmem:s15+$0xFFFFFF80] =	vst v35  }
0x1ae: {  	v43 =	vmul.f32 v9, v6;
	[tilespmem:s15+$0xFFFFFFD0] =	vst v10;
	v10 =	vcvt.s32.f32 v45  }
0x1af: {  	v40 =	vld [tilespmem:s7+$0xFFFFFFD0];
	[tilespmem:s6+$0xFFFFFFE0] =	vst v1;
	v1 =	vshll.u32 v16, $0x10;
	v46 =	vshll.u32 v38, $0x10;
	v49 =	vshra.s32 v38, $0x10  }
0x1b0: {  	[tilespmem:s6+$0xFFFFFFF0] =	vst v37;
	v54 =	vld [tilespmem:s7+$0xFFFFFFF0];
	v1 =	vshra.s32 v1, $0x10;
	v15 =	vshra.s32 v46, $0x10;
	v53 =	vcvt.s32.f32 v49  }
0x1b1: {  	[tilespmem:s15+$0xA0] =	vst v42;
	v1 =	vcvt.s32.f32 v1;
	v51 =	vcvt.s32.f32 v15  }
0x1b2: {  	[tilespmem:s15+$0xE0] =	vst v5;
	v55 =	vshll.u32 v44, $0x10;
	v59 =	vshra.s32 v44, $0x10;
	v57 =	vmul.f32 v53, v4  }
0x1b3: {  	[tilespmem:s15+$0xB0] =	vst v43;
	v56 =	vshra.s32 v55, $0x10;
	v60 =	vcvt.s32.f32 v59;
	v1 =	vmul.f32 v1, v3  }
0x1b4: {  	v3 =	vmul.f32 v10, v3;
	v47 =	vshra.s32 v40, $0x10;
	v50 =	vshll.u32 v40, $0x10;
	[tilespmem:s15+$0x30] =	vst v57  }
0x1b5: {  	v13 =	vmul.f32 v51, v4;
	v5 =	vcvt.s32.f32 v56;
	v61 =	vshll.u32 v54, $0x10;
	[tilespmem:s15+$0xFFFFFF60] =	vst v1  }
0x1b6: {  	v62 =	vshra.s32 v54, $0x10;
	v48 =	vcvt.s32.f32 v47;
	v4 =	vmul.f32 v60, v2;
	[tilespmem:s15+$0xFFFFFF70] =	vst v3  }
0x1b7: {  	v12 =	vshra.s32 v50, $0x10;
	v63 =	vcvt.s32.f32 v62;
	[tilespmem:s15+$0x20] =	vst v13;
	v2 =	vmul.f32 v5, v2  }
0x1b8: {  	v1 =	vshra.s32 v61, $0x10;
	v12 =	vcvt.s32.f32 v12;
	v52 =	vmul.f32 v48, v8;
	[tilespmem:s15+$0xFFFFFF30] =	vst v4  }
0x1b9: {  	v1 =	vcvt.s32.f32 v1;
	v3 =	vmul.f32 v63, v7;
	[tilespmem:s15+$0xFFFFFF20] =	vst v2  }
0x1ba: {  	v58 =	vmul.f32 v12, v8;
	[tilespmem:s15+$0xFFFFFFB0] =	vst v52  }
0x1bb: {  	v1 =	vmul.f32 v1, v7;
	[tilespmem:s15+$0xFFFFFFF0] =	vst v3  }
0x1bc: {  	[tilespmem:s15+$0xFFFFFFA0] =	vst v58  }
.Ltmp5:
0x1bd: {  	s28 =	sadd.s32 $0x4F80, s28;
	[tilespmem:s15+$0xFFFFFFE0] =	vst v1;
	(pc) =	sbr.rel @p0 .LBB2_10-.Ltmp5, $4  }
0x1be: {  	[spmem:s3] =	stream.indirect.scatter.add.f32 [tilespmem:s24], [sflag:$0x3], $0x40, s28, s25, $0xb8;
	[tilespmem:$0x18E00] =	vst v63  }
0x1bf: {  	_ =	swait.ge [sflag:s22], $0x2000  }
0x1c0: {  	[sflag:s22] =	ssyncset.done $0x0  }
0x1c1: {  	[sflag:s22] =	ssyncadd.s32 $0xFFFFE000  }
0x1c2: {  	s6 =	sadd.s32 $0x3, s26  }
.Ltmp6:
0x1c3: {  	s7 =	sshll.u32 s6, $0x7;
	s6 =	sadd.s32 s13, s6;
	(pc) =	sbr.rel .LBB2_4-.Ltmp6, $4  }
0x1c4: {  	s7 =	sand.u32 $0x3FFFFF80, s7;
	s6 =	sshll.u32 s6, $0x8  }
0x1c5: {  	[tilespmem:s29], [sflag:$0x2] =	stream.indirect.gather [hbm4b:s2+s25], $0x20, s7, s25, $0xb8;
	[tilespmem:$0x18E00] =	vst v63  }
0x1c6: {  	s23 =	sadd.s32 $0x1, s23;
	s6 =	sadd.s32 s5, s6  }
0x1c7: {  	[tilespmem:s30], [sflag:$0x2] =	stream.linear.gather [hbm4b:s6+s4], $0x800, $0x38;
	[tilespmem:$0x18E00] =	vst v63  }
.LBB2_11:
0x1c8: {  	_ =	sfence.sel $0x180000  }
0x1c9: {  	[bflag:$0x0] =	sbarrier.arrive $0xFFFF  }
0x1ca: {  	_ =	strace $0x90000047  }
0x1cb: {  	s0 =	stileid.u32;
	[bflag:$0x2] =	sbarrier.arrive $0xFFFF  }
0x1cc: {  	p0 =	sne.s32 s0, $0x0;
	s0 =	rddreg [dreg:$0x3]  }
0x1cd: {  	s0 =	sadd.s32 @!p0 $0x100000, s0  }
0x1ce: {  	[sflag:s0] =	ssyncadd.tile.s32 @!p0 $0x1;
	_ =	shalt  }
.Lfunc_end2:
_tile_overlayer_lowered:
.L_overlay_start_2:
0x1cf: {  	(tag) =	ssettag $0x2  }
0x1d0: {  	s0 =	rddreg [dreg:$0x0];
	s2 =	stileid.u32  }
0x1d1: {  	s1 =	rddreg [dreg:$0x1];
	p0 =	sne.s32 s2, $0x0  }
0x1d2: {  	s3 =	rddreg [dreg:$0x2];
	[bflag:$0x3] =	sbarrier.arrive $0xFFFF;
	s2 =	simm.s32 @!p0 $0x1C03  }
0x1d3: {  	[timem:s3], [sflag:s2] =	dma.local @!p0 [hbm:s0], s1  }
0x1d4: {  	s0 =	simm.s32 @!p0 $0x3  }
0x1d5: {  	_ =	swait.ge @!p0 [sflag:s0], s1  }
0x1d6: {  	s1 =	ssub.s32 @!p0 $0x0, s1;
	[sflag:s0] =	ssyncset.done @!p0 $0x0  }
0x1d7: {  	[sflag:s0] =	ssyncadd.s32 @!p0 s1  }
0x1d8: {  	[bflag:$0x3] =	sbarrier.arrive $0xFFFF  }
0x1d9: {  	_ =	shalt  }

</sc_bundles>
